<compile_context>
chip_gen: v7x
topology: tpu7x:2x2x1
jax: 0.10.2.dev20260603
libtpu: 0.0.44.dev20260713+nightly
codegen_flags: <defaults>
</compile_context>

<pallas_src>
import functools

import jax
import jax.numpy as jnp
from jax import lax
from jax.experimental import pallas as pl
from jax.experimental.pallas import tpu as pltpu
from jax.experimental.pallas import tpu_sc as plsc

N_EMB = 8192
DIM = 256
N_TOK = 16384

TB = 512
CB = 2816
NJ = 3
N_PAD = NJ * CB


def _argmin_body(a_ref, se_ref, f_ref, e_ref, idx_ref, best_ref, bidx_ref):
    j = pl.program_id(0)
    t = pl.program_id(1)
    f = f_ref[...].astype(jnp.bfloat16)
    sim2 = jnp.dot(f, e_ref[...], preferred_element_type=jnp.float32)
    dist = (a_ref[...] + se_ref[...]) - sim2
    m = jnp.min(dist, axis=1, keepdims=True)
    lane = lax.broadcasted_iota(jnp.int32, dist.shape, 1)
    cand = jnp.min(jnp.where(dist == m, lane, jnp.int32(N_PAD)),
                   axis=1, keepdims=True) + j * CB
    mr = m.astype(jnp.bfloat16).astype(jnp.float32)
    sl = pl.ds(t * TB, TB)

    @pl.when(j == 0)
    def _():
        best_ref[sl, :] = mr
        bidx_ref[sl, :] = cand

    @pl.when(j > 0)
    def _():
        keep = best_ref[sl, :] <= m
        bidx_ref[sl, :] = jnp.where(keep, bidx_ref[sl, :], cand)
        best_ref[sl, :] = jnp.where(keep, best_ref[sl, :], mr)

    @pl.when(j == NJ - 1)
    def _():
        idx_ref[...] = bidx_ref[sl, :][:, 0]


def _compute_indices(f, e2b, a, se):
    n = f.shape[0]
    return pl.pallas_call(
        _argmin_body,
        grid=(NJ, n // TB),
        in_specs=[
            pl.BlockSpec((TB, 1), lambda j, t: (t, 0)),
            pl.BlockSpec((1, CB), lambda j, t: (0, j)),
            pl.BlockSpec((TB, DIM), lambda j, t: (t, 0)),
            pl.BlockSpec((DIM, CB), lambda j, t: (0, j)),
        ],
        out_specs=pl.BlockSpec((TB,), lambda j, t: (t,)),
        out_shape=jax.ShapeDtypeStruct((n,), jnp.int32),
        scratch_shapes=[
            pltpu.VMEM((n, 1), jnp.float32),
            pltpu.VMEM((n, 1), jnp.int32),
        ],
        compiler_params=pltpu.CompilerParams(
            dimension_semantics=("arbitrary", "arbitrary"),
        ),
    )(a, se, f, e2b)


_NC = 2
_NS = 16
_NW = _NC * _NS
_CHUNK = 128


def _gather_st(table, idx, xflat):
    n = idx.shape[0]
    _BPW = n // _NW
    _NCH = _BPW // _CHUNK
    mesh = plsc.VectorSubcoreMesh(core_axis_name="c", subcore_axis_name="s")

    @functools.partial(
        pl.kernel,
        mesh=mesh,
        out_type=jax.ShapeDtypeStruct((n, DIM), jnp.float32),
        scratch_types=[
            pltpu.VMEM((_BPW,), jnp.int32),
            pltpu.VMEM((_CHUNK, DIM), jnp.float32),
            pltpu.VMEM((_CHUNK, DIM), jnp.float32),
            pltpu.SemaphoreType.DMA,
        ],
    )
    def k(table_hbm, idx_hbm, x_hbm, out_hbm, idx_v, rows_v, x_v, sem):
        wid = lax.axis_index("s") * _NC + lax.axis_index("c")
        base = wid * _BPW
        pltpu.sync_copy(idx_hbm.at[pl.ds(base, _BPW)], idx_v)
        for c in range(_NCH):
            pltpu.async_copy(
                table_hbm.at[idx_v.at[pl.ds(c * _CHUNK, _CHUNK)]],
                rows_v, sem).wait()
            pltpu.sync_copy(x_hbm.at[pl.ds(base + c * _CHUNK, _CHUNK)], x_v)

            def row(r, _):
                def vec(v, _):
                    xv = x_v[r, pl.ds(v * 16, 16)]
                    qv = rows_v[r, pl.ds(v * 16, 16)]
                    rows_v[r, pl.ds(v * 16, 16)] = xv + (qv - xv)
                    return 0
                lax.fori_loop(0, DIM // 16, vec, 0)
                return 0
            lax.fori_loop(0, _CHUNK, row, 0)
            pltpu.sync_copy(rows_v, out_hbm.at[pl.ds(base + c * _CHUNK, _CHUNK)])

    return k(table, idx, xflat)


def kernel(x, embeddings):
    f = x.reshape(-1, DIM)
    a = jnp.sum(f ** 2, axis=1, keepdims=True)
    se = jnp.sum(embeddings ** 2, axis=0, keepdims=True)
    e_pad = jnp.pad(embeddings, ((0, 0), (0, N_PAD - N_EMB)))
    e2b = (2.0 * e_pad).astype(jnp.bfloat16)
    se_pad = jnp.concatenate(
        [se, jnp.full((1, N_PAD - N_EMB), jnp.inf, jnp.float32)], axis=1)
    table = embeddings.T
    h = N_TOK // 2
    outs = []
    for lo in (0, h):
        fi = f[lo:lo + h]
        idx = _compute_indices(fi, e2b, a[lo:lo + h], se_pad)
        outs.append(_gather_st(table, idx, fi))
    return jnp.concatenate(outs).reshape(x.shape)

# --- scband reference (transcript-rebuilt; emitter-appended) ---
"""Pipeline reference for scband-vector-quantiser-6150393168360 (READ-ONLY COPY).

The authoritative reference and input builder live on the scoring server;
editing this copy changes nothing except your own understanding.
"""

import jax, jax.numpy as jnp
import numpy as np

NUM_EMBEDDINGS = 8192
EMBED_DIM = 256

def setup_inputs(seed: int = 0) -> dict:
    key = jax.random.key(seed)
    k1, k2 = jax.random.split(key)
    x = jax.random.normal(k1, (16, 32, 32, EMBED_DIM), dtype=jnp.float32)
    # tf.random_uniform_initializer default: uniform in [-0.05, 0.05]
    embeddings = jax.random.uniform(k2, (EMBED_DIM, NUM_EMBEDDINGS), dtype=jnp.float32, minval=-0.05, maxval=0.05)
    return {"x": x, "embeddings": embeddings}

def get_code_indices(flattened, embeddings):
    similarity = jnp.matmul(flattened, embeddings)
    distances = (jnp.sum(flattened ** 2, axis=1, keepdims=True)
                 + jnp.sum(embeddings ** 2, axis=0)
                 - 2.0 * similarity)
    return jnp.argmin(distances, axis=1)

def reference(x, embeddings):
    input_shape = x.shape
    flattened = x.reshape(-1, EMBED_DIM)
    encoding_indices = get_code_indices(flattened, embeddings)
    encodings = jax.nn.one_hot(encoding_indices, NUM_EMBEDDINGS, dtype=jnp.float32)
    quantized = jnp.matmul(encodings, embeddings.T)
    unflattened = quantized.reshape(input_shape)
    # straight-through estimator
    return x + jax.lax.stop_gradient(unflattened - x)

if __name__ == "__main__":
    import jax
    _d = setup_inputs()
    print(jax.jit(kernel)(*tuple(_d.values())))

</pallas_src>

<mosaic_0001>
#map = affine_map<(d0, d1) -> (0, 0)>
#map1 = affine_map<(d0, d1) -> (0)>
module attributes {stable_mosaic.version = 14 : i64} {
  func.func @k(%arg0: i32, %arg1: i32, %arg2: memref<8192x256xf32, #tpu.memory_space<hbm>>, %arg3: memref<8192xi32, #tpu.memory_space<hbm>>, %arg4: memref<8192x256xf32, #tpu.memory_space<hbm>>, %arg5: memref<8192x256xf32, #tpu.memory_space<hbm>>, %arg6: memref<256xi32, #tpu.memory_space<vmem>>, %arg7: memref<128x256xf32, #tpu.memory_space<vmem>>, %arg8: memref<128x256xf32, #tpu.memory_space<vmem>>, %arg9: memref<!tpu.dma_semaphore, #tpu.memory_space<semaphore_mem>>) attributes {dimension_semantics = [#tpu.dimension_semantics<core_parallel>, #tpu.dimension_semantics<subcore_parallel>], iteration_bounds = array<i64: 2, 16>, scalar_prefetch = 0 : i64, scratch_operands = 4 : i64, tpu.core_type = #tpu.core_type<sc_vector_subcore>, window_params = [{transform_indices = #map}, {transform_indices = #map1}, {transform_indices = #map}, {transform_indices = #map}]} {
    %mul3A = arith.constant 2 : i32
    %mul3A_0 = arith.muli %arg1, %mul3A : i32
    %add3A = arith.addi %mul3A_0, %arg0 : i32
    %mul3A_1 = arith.constant 256 : i32
    %mul3A_2 = arith.muli %add3A, %mul3A_1 : i32
    "tpu.region"() ({
      %run_scoped3A = tpu.sem_alloc : memref<!tpu.dma_semaphore, #tpu.memory_space<semaphore_mem>>
      %dma_start3A_42 = tpu.memref_slice %arg3[%mul3A_2] : memref<8192xi32, #tpu.memory_space<hbm>> -> memref<256xi32, #tpu.memory_space<hbm>>
      %dma_start3A_43 = tpu.memref_slice %arg3[%mul3A_2] : memref<8192xi32, #tpu.memory_space<hbm>> -> memref<256xi32, #tpu.memory_space<hbm>>
      tpu.enqueue_dma source(%dma_start3A_43 : memref<256xi32, #tpu.memory_space<hbm>>) target(%arg6 : memref<256xi32, #tpu.memory_space<vmem>>) target_semaphore(%run_scoped3A : memref<!tpu.dma_semaphore, #tpu.memory_space<semaphore_mem>>)
      %dma_wait3A_44 = tpu.memref_slice %arg3[%mul3A_2] : memref<8192xi32, #tpu.memory_space<hbm>> -> memref<256xi32, #tpu.memory_space<hbm>>
      %dma_wait3A_45 = tpu.memref_slice %arg3[%mul3A_2] : memref<8192xi32, #tpu.memory_space<hbm>> -> memref<256xi32, #tpu.memory_space<hbm>>
      tpu.wait_dma2 semaphore(%run_scoped3A : memref<!tpu.dma_semaphore, #tpu.memory_space<semaphore_mem>>) src(%dma_wait3A_45 : memref<256xi32, #tpu.memory_space<hbm>>) dst(%arg6 : memref<256xi32, #tpu.memory_space<vmem>>)
      tpu.yield
    }) : () -> ()
    %dma_start3A = arith.constant 0 : i32
    %dma_start3A_3 = tpu.memref_slice %arg6[%dma_start3A] : memref<256xi32, #tpu.memory_space<vmem>> -> memref<128xi32, #tpu.memory_space<vmem>>
    %dma_start3A_4 = arith.constant 0 : i32
    %dma_start3A_5 = arith.constant 0 : i32
    %dma_start3A_6 = tpu.memref_slice %arg2[%dma_start3A_4, %dma_start3A_5] : memref<8192x256xf32, #tpu.memory_space<hbm>> -> memref<8192x256xf32, #tpu.memory_space<hbm>>
    tpu.enqueue_indirect_dma source(%dma_start3A_6 : memref<8192x256xf32, #tpu.memory_space<hbm>>) target(%arg7 : memref<128x256xf32, #tpu.memory_space<vmem>>) offsets(%dma_start3A_3 : memref<128xi32, #tpu.memory_space<vmem>>) semaphore(%arg9 : memref<!tpu.dma_semaphore, #tpu.memory_space<semaphore_mem>>)
    %dma_wait3A = arith.constant 0 : i32
    %dma_wait3A_7 = tpu.memref_slice %arg6[%dma_wait3A] : memref<256xi32, #tpu.memory_space<vmem>> -> memref<128xi32, #tpu.memory_space<vmem>>
    %dma_wait3A_8 = arith.constant 0 : i32
    %dma_wait3A_9 = arith.constant 0 : i32
    %dma_wait3A_10 = tpu.memref_slice %arg2[%dma_wait3A_8, %dma_wait3A_9] : memref<8192x256xf32, #tpu.memory_space<hbm>> -> memref<8192x256xf32, #tpu.memory_space<hbm>>
    tpu.wait_indirect_dma semaphore(%arg9 : memref<!tpu.dma_semaphore, #tpu.memory_space<semaphore_mem>>) src(%dma_wait3A_10 : memref<8192x256xf32, #tpu.memory_space<hbm>>) dst(%arg7 : memref<128x256xf32, #tpu.memory_space<vmem>>)
    %add3A_11 = arith.constant 0 : i32
    %add3A_12 = arith.addi %mul3A_2, %add3A_11 : i32
    "tpu.region"() ({
      %run_scoped3A = tpu.sem_alloc : memref<!tpu.dma_semaphore, #tpu.memory_space<semaphore_mem>>
      %dma_start3A_42 = arith.constant 0 : i32
      %dma_start3A_43 = tpu.memref_slice %arg4[%add3A_12, %dma_start3A_42] : memref<8192x256xf32, #tpu.memory_space<hbm>> -> memref<128x256xf32, #tpu.memory_space<hbm>>
      %dma_start3A_44 = arith.constant 0 : i32
      %dma_start3A_45 = tpu.memref_slice %arg4[%add3A_12, %dma_start3A_44] : memref<8192x256xf32, #tpu.memory_space<hbm>> -> memref<128x256xf32, #tpu.memory_space<hbm>>
      tpu.enqueue_dma source(%dma_start3A_45 : memref<128x256xf32, #tpu.memory_space<hbm>>) target(%arg8 : memref<128x256xf32, #tpu.memory_space<vmem>>) target_semaphore(%run_scoped3A : memref<!tpu.dma_semaphore, #tpu.memory_space<semaphore_mem>>)
      %dma_wait3A_46 = arith.constant 0 : i32
      %dma_wait3A_47 = tpu.memref_slice %arg4[%add3A_12, %dma_wait3A_46] : memref<8192x256xf32, #tpu.memory_space<hbm>> -> memref<128x256xf32, #tpu.memory_space<hbm>>
      %dma_wait3A_48 = arith.constant 0 : i32
      %dma_wait3A_49 = tpu.memref_slice %arg4[%add3A_12, %dma_wait3A_48] : memref<8192x256xf32, #tpu.memory_space<hbm>> -> memref<128x256xf32, #tpu.memory_space<hbm>>
      tpu.wait_dma2 semaphore(%run_scoped3A : memref<!tpu.dma_semaphore, #tpu.memory_space<semaphore_mem>>) src(%dma_wait3A_49 : memref<128x256xf32, #tpu.memory_space<hbm>>) dst(%arg8 : memref<128x256xf32, #tpu.memory_space<vmem>>)
      tpu.yield
    }) : () -> ()
    %scan3A = arith.constant 0 : i32
    %scan3A_13 = arith.constant 0 : i32
    %scan3A_14 = arith.constant 128 : i32
    %scan3A_15 = arith.addi %scan3A_13, %scan3A_14 : i32
    %scan3A_16 = arith.constant 1 : i32
    %scan3A_17 = scf.for %scan3A_42 = %scan3A_13 to %scan3A_15 step %scan3A_16 iter_args(%scan3A_43 = %scan3A) -> (i32)  : i32 {
      %scan3A_44 = arith.constant 0 : i32
      %scan3A_45 = arith.constant 0 : i32
      %scan3A_46 = arith.constant 16 : i32
      %scan3A_47 = arith.addi %scan3A_45, %scan3A_46 : i32
      %scan3A_48 = arith.constant 1 : i32
      %scan3A_49 = scf.for %scan3A_52 = %scan3A_45 to %scan3A_47 step %scan3A_48 iter_args(%scan3A_53 = %scan3A_44) -> (i32)  : i32 {
        %mul3A_54 = arith.constant 16 : i32
        %mul3A_55 = arith.muli %scan3A_52, %mul3A_54 : i32
        %get3A = arith.index_cast %scan3A_42 : i32 to index
        %get3A_56 = arith.index_cast %mul3A_55 : i32 to index
        %get3A_57 = tpu.vector_load %arg8[%get3A, %get3A_56] {strides = array<i32>} : memref<128x256xf32, #tpu.memory_space<vmem>>, vector<1x16xf32>,
        %get3A_58 = vector.shape_cast %get3A_57 : vector<1x16xf32> to vector<16xf32>
        %mul3A_59 = arith.constant 16 : i32
        %mul3A_60 = arith.muli %scan3A_52, %mul3A_59 : i32
        %get3A_61 = arith.index_cast %scan3A_42 : i32 to index
        %get3A_62 = arith.index_cast %mul3A_60 : i32 to index
        %get3A_63 = tpu.vector_load %arg7[%get3A_61, %get3A_62] {strides = array<i32>} : memref<128x256xf32, #tpu.memory_space<vmem>>, vector<1x16xf32>,
        %get3A_64 = vector.shape_cast %get3A_63 : vector<1x16xf32> to vector<16xf32>
        %sub3A = arith.subf %get3A_64, %get3A_58 : vector<16xf32>
        %add3A_65 = arith.addf %get3A_58, %sub3A : vector<16xf32>
        %mul3A_66 = arith.constant 16 : i32
        %mul3A_67 = arith.muli %scan3A_52, %mul3A_66 : i32
        %swap3A = arith.index_cast %scan3A_42 : i32 to index
        %swap3A_68 = arith.index_cast %mul3A_67 : i32 to index
        %swap3A_69 = tpu.vector_load %arg7[%swap3A, %swap3A_68] {strides = array<i32>} : memref<128x256xf32, #tpu.memory_space<vmem>>, vector<1x16xf32>,
        %swap3A_70 = vector.shape_cast %swap3A_69 : vector<1x16xf32> to vector<16xf32>
        %swap3A_71 = vector.shape_cast %add3A_65 : vector<16xf32> to vector<1x16xf32>
        tpu.vector_store %arg7[%swap3A, %swap3A_68], %swap3A_71 {strides = array<i32>} : memref<128x256xf32, #tpu.memory_space<vmem>>, vector<1x16xf32>,
        %scan3A_72 = arith.constant 0 : i32
        scf.yield %scan3A_72 : i32
      }
      %scan3A_50 = arith.constant 16 : i32
      %scan3A_51 = arith.constant 0 : i32
      scf.yield %scan3A_51 : i32
    }
    %scan3A_18 = arith.constant 128 : i32
    %add3A_19 = arith.constant 0 : i32
    %add3A_20 = arith.addi %mul3A_2, %add3A_19 : i32
    "tpu.region"() ({
      %run_scoped3A = tpu.sem_alloc : memref<!tpu.dma_semaphore, #tpu.memory_space<semaphore_mem>>
      %dma_start3A_42 = arith.constant 0 : i32
      %dma_start3A_43 = tpu.memref_slice %arg5[%add3A_20, %dma_start3A_42] : memref<8192x256xf32, #tpu.memory_space<hbm>> -> memref<128x256xf32, #tpu.memory_space<hbm>>
      %dma_start3A_44 = arith.constant 0 : i32
      %dma_start3A_45 = tpu.memref_slice %arg5[%add3A_20, %dma_start3A_44] : memref<8192x256xf32, #tpu.memory_space<hbm>> -> memref<128x256xf32, #tpu.memory_space<hbm>>
      tpu.enqueue_dma source(%arg7 : memref<128x256xf32, #tpu.memory_space<vmem>>) target(%dma_start3A_45 : memref<128x256xf32, #tpu.memory_space<hbm>>) target_semaphore(%run_scoped3A : memref<!tpu.dma_semaphore, #tpu.memory_space<semaphore_mem>>)
      %dma_wait3A_46 = arith.constant 0 : i32
      %dma_wait3A_47 = tpu.memref_slice %arg5[%add3A_20, %dma_wait3A_46] : memref<8192x256xf32, #tpu.memory_space<hbm>> -> memref<128x256xf32, #tpu.memory_space<hbm>>
      %dma_wait3A_48 = arith.constant 0 : i32
      %dma_wait3A_49 = tpu.memref_slice %arg5[%add3A_20, %dma_wait3A_48] : memref<8192x256xf32, #tpu.memory_space<hbm>> -> memref<128x256xf32, #tpu.memory_space<hbm>>
      tpu.wait_dma2 semaphore(%run_scoped3A : memref<!tpu.dma_semaphore, #tpu.memory_space<semaphore_mem>>) src(%arg7 : memref<128x256xf32, #tpu.memory_space<vmem>>) dst(%dma_wait3A_49 : memref<128x256xf32, #tpu.memory_space<hbm>>)
      tpu.yield
    }) : () -> ()
    %dma_start3A_21 = arith.constant 128 : i32
    %dma_start3A_22 = tpu.memref_slice %arg6[%dma_start3A_21] : memref<256xi32, #tpu.memory_space<vmem>> -> memref<128xi32, #tpu.memory_space<vmem>>
    %dma_start3A_23 = arith.constant 0 : i32
    %dma_start3A_24 = arith.constant 0 : i32
    %dma_start3A_25 = tpu.memref_slice %arg2[%dma_start3A_23, %dma_start3A_24] : memref<8192x256xf32, #tpu.memory_space<hbm>> -> memref<8192x256xf32, #tpu.memory_space<hbm>>
    tpu.enqueue_indirect_dma source(%dma_start3A_25 : memref<8192x256xf32, #tpu.memory_space<hbm>>) target(%arg7 : memref<128x256xf32, #tpu.memory_space<vmem>>) offsets(%dma_start3A_22 : memref<128xi32, #tpu.memory_space<vmem>>) semaphore(%arg9 : memref<!tpu.dma_semaphore, #tpu.memory_space<semaphore_mem>>)
    %dma_wait3A_26 = arith.constant 128 : i32
    %dma_wait3A_27 = tpu.memref_slice %arg6[%dma_wait3A_26] : memref<256xi32, #tpu.memory_space<vmem>> -> memref<128xi32, #tpu.memory_space<vmem>>
    %dma_wait3A_28 = arith.constant 0 : i32
    %dma_wait3A_29 = arith.constant 0 : i32
    %dma_wait3A_30 = tpu.memref_slice %arg2[%dma_wait3A_28, %dma_wait3A_29] : memref<8192x256xf32, #tpu.memory_space<hbm>> -> memref<8192x256xf32, #tpu.memory_space<hbm>>
    tpu.wait_indirect_dma semaphore(%arg9 : memref<!tpu.dma_semaphore, #tpu.memory_space<semaphore_mem>>) src(%dma_wait3A_30 : memref<8192x256xf32, #tpu.memory_space<hbm>>) dst(%arg7 : memref<128x256xf32, #tpu.memory_space<vmem>>)
    %add3A_31 = arith.constant 128 : i32
    %add3A_32 = arith.addi %mul3A_2, %add3A_31 : i32
    "tpu.region"() ({
      %run_scoped3A = tpu.sem_alloc : memref<!tpu.dma_semaphore, #tpu.memory_space<semaphore_mem>>
      %dma_start3A_42 = arith.constant 0 : i32
      %dma_start3A_43 = tpu.memref_slice %arg4[%add3A_32, %dma_start3A_42] : memref<8192x256xf32, #tpu.memory_space<hbm>> -> memref<128x256xf32, #tpu.memory_space<hbm>>
      %dma_start3A_44 = arith.constant 0 : i32
      %dma_start3A_45 = tpu.memref_slice %arg4[%add3A_32, %dma_start3A_44] : memref<8192x256xf32, #tpu.memory_space<hbm>> -> memref<128x256xf32, #tpu.memory_space<hbm>>
      tpu.enqueue_dma source(%dma_start3A_45 : memref<128x256xf32, #tpu.memory_space<hbm>>) target(%arg8 : memref<128x256xf32, #tpu.memory_space<vmem>>) target_semaphore(%run_scoped3A : memref<!tpu.dma_semaphore, #tpu.memory_space<semaphore_mem>>)
      %dma_wait3A_46 = arith.constant 0 : i32
      %dma_wait3A_47 = tpu.memref_slice %arg4[%add3A_32, %dma_wait3A_46] : memref<8192x256xf32, #tpu.memory_space<hbm>> -> memref<128x256xf32, #tpu.memory_space<hbm>>
      %dma_wait3A_48 = arith.constant 0 : i32
      %dma_wait3A_49 = tpu.memref_slice %arg4[%add3A_32, %dma_wait3A_48] : memref<8192x256xf32, #tpu.memory_space<hbm>> -> memref<128x256xf32, #tpu.memory_space<hbm>>
      tpu.wait_dma2 semaphore(%run_scoped3A : memref<!tpu.dma_semaphore, #tpu.memory_space<semaphore_mem>>) src(%dma_wait3A_49 : memref<128x256xf32, #tpu.memory_space<hbm>>) dst(%arg8 : memref<128x256xf32, #tpu.memory_space<vmem>>)
      tpu.yield
    }) : () -> ()
    %scan3A_33 = arith.constant 0 : i32
    %scan3A_34 = arith.constant 0 : i32
    %scan3A_35 = arith.constant 128 : i32
    %scan3A_36 = arith.addi %scan3A_34, %scan3A_35 : i32
    %scan3A_37 = arith.constant 1 : i32
    %scan3A_38 = scf.for %scan3A_42 = %scan3A_34 to %scan3A_36 step %scan3A_37 iter_args(%scan3A_43 = %scan3A_33) -> (i32)  : i32 {
      %scan3A_44 = arith.constant 0 : i32
      %scan3A_45 = arith.constant 0 : i32
      %scan3A_46 = arith.constant 16 : i32
      %scan3A_47 = arith.addi %scan3A_45, %scan3A_46 : i32
      %scan3A_48 = arith.constant 1 : i32
      %scan3A_49 = scf.for %scan3A_52 = %scan3A_45 to %scan3A_47 step %scan3A_48 iter_args(%scan3A_53 = %scan3A_44) -> (i32)  : i32 {
        %mul3A_54 = arith.constant 16 : i32
        %mul3A_55 = arith.muli %scan3A_52, %mul3A_54 : i32
        %get3A = arith.index_cast %scan3A_42 : i32 to index
        %get3A_56 = arith.index_cast %mul3A_55 : i32 to index
        %get3A_57 = tpu.vector_load %arg8[%get3A, %get3A_56] {strides = array<i32>} : memref<128x256xf32, #tpu.memory_space<vmem>>, vector<1x16xf32>,
        %get3A_58 = vector.shape_cast %get3A_57 : vector<1x16xf32> to vector<16xf32>
        %mul3A_59 = arith.constant 16 : i32
        %mul3A_60 = arith.muli %scan3A_52, %mul3A_59 : i32
        %get3A_61 = arith.index_cast %scan3A_42 : i32 to index
        %get3A_62 = arith.index_cast %mul3A_60 : i32 to index
        %get3A_63 = tpu.vector_load %arg7[%get3A_61, %get3A_62] {strides = array<i32>} : memref<128x256xf32, #tpu.memory_space<vmem>>, vector<1x16xf32>,
        %get3A_64 = vector.shape_cast %get3A_63 : vector<1x16xf32> to vector<16xf32>
        %sub3A = arith.subf %get3A_64, %get3A_58 : vector<16xf32>
        %add3A_65 = arith.addf %get3A_58, %sub3A : vector<16xf32>
        %mul3A_66 = arith.constant 16 : i32
        %mul3A_67 = arith.muli %scan3A_52, %mul3A_66 : i32
        %swap3A = arith.index_cast %scan3A_42 : i32 to index
        %swap3A_68 = arith.index_cast %mul3A_67 : i32 to index
        %swap3A_69 = tpu.vector_load %arg7[%swap3A, %swap3A_68] {strides = array<i32>} : memref<128x256xf32, #tpu.memory_space<vmem>>, vector<1x16xf32>,
        %swap3A_70 = vector.shape_cast %swap3A_69 : vector<1x16xf32> to vector<16xf32>
        %swap3A_71 = vector.shape_cast %add3A_65 : vector<16xf32> to vector<1x16xf32>
        tpu.vector_store %arg7[%swap3A, %swap3A_68], %swap3A_71 {strides = array<i32>} : memref<128x256xf32, #tpu.memory_space<vmem>>, vector<1x16xf32>,
        %scan3A_72 = arith.constant 0 : i32
        scf.yield %scan3A_72 : i32
      }
      %scan3A_50 = arith.constant 16 : i32
      %scan3A_51 = arith.constant 0 : i32
      scf.yield %scan3A_51 : i32
    }
    %scan3A_39 = arith.constant 128 : i32
    %add3A_40 = arith.constant 128 : i32
    %add3A_41 = arith.addi %mul3A_2, %add3A_40 : i32
    "tpu.region"() ({
      %run_scoped3A = tpu.sem_alloc : memref<!tpu.dma_semaphore, #tpu.memory_space<semaphore_mem>>
      %dma_start3A_42 = arith.constant 0 : i32
      %dma_start3A_43 = tpu.memref_slice %arg5[%add3A_41, %dma_start3A_42] : memref<8192x256xf32, #tpu.memory_space<hbm>> -> memref<128x256xf32, #tpu.memory_space<hbm>>
      %dma_start3A_44 = arith.constant 0 : i32
      %dma_start3A_45 = tpu.memref_slice %arg5[%add3A_41, %dma_start3A_44] : memref<8192x256xf32, #tpu.memory_space<hbm>> -> memref<128x256xf32, #tpu.memory_space<hbm>>
      tpu.enqueue_dma source(%arg7 : memref<128x256xf32, #tpu.memory_space<vmem>>) target(%dma_start3A_45 : memref<128x256xf32, #tpu.memory_space<hbm>>) target_semaphore(%run_scoped3A : memref<!tpu.dma_semaphore, #tpu.memory_space<semaphore_mem>>)
      %dma_wait3A_46 = arith.constant 0 : i32
      %dma_wait3A_47 = tpu.memref_slice %arg5[%add3A_41, %dma_wait3A_46] : memref<8192x256xf32, #tpu.memory_space<hbm>> -> memref<128x256xf32, #tpu.memory_space<hbm>>
      %dma_wait3A_48 = arith.constant 0 : i32
      %dma_wait3A_49 = tpu.memref_slice %arg5[%add3A_41, %dma_wait3A_48] : memref<8192x256xf32, #tpu.memory_space<hbm>> -> memref<128x256xf32, #tpu.memory_space<hbm>>
      tpu.wait_dma2 semaphore(%run_scoped3A : memref<!tpu.dma_semaphore, #tpu.memory_space<semaphore_mem>>) src(%arg7 : memref<128x256xf32, #tpu.memory_space<vmem>>) dst(%dma_wait3A_49 : memref<128x256xf32, #tpu.memory_space<hbm>>)
      tpu.yield
    }) : () -> ()
    return
  }
}

#map = affine_map<(d0, d1) -> (0, 0)>
#map1 = affine_map<(d0, d1) -> (0)>
module attributes {stable_mosaic.version = 14 : i64} {
  func.func @k(%arg0: i32, %arg1: i32, %arg2: memref<8192x256xf32, #tpu.memory_space<hbm>>, %arg3: memref<8192xi32, #tpu.memory_space<hbm>>, %arg4: memref<8192x256xf32, #tpu.memory_space<hbm>>, %arg5: memref<8192x256xf32, #tpu.memory_space<hbm>>, %arg6: memref<256xi32, #tpu.memory_space<vmem>>, %arg7: memref<128x256xf32, #tpu.memory_space<vmem>>, %arg8: memref<128x256xf32, #tpu.memory_space<vmem>>, %arg9: memref<!tpu.dma_semaphore, #tpu.memory_space<semaphore_mem>>) attributes {dimension_semantics = [#tpu.dimension_semantics<core_parallel>, #tpu.dimension_semantics<subcore_parallel>], iteration_bounds = array<i64: 2, 16>, scalar_prefetch = 0 : i64, scratch_operands = 4 : i64, tpu.core_type = #tpu.core_type<sc_vector_subcore>, window_params = [{transform_indices = #map}, {transform_indices = #map1}, {transform_indices = #map}, {transform_indices = #map}]} {
    %mul3A = arith.constant 2 : i32
    %mul3A_0 = arith.muli %arg1, %mul3A : i32
    %add3A = arith.addi %mul3A_0, %arg0 : i32
    %mul3A_1 = arith.constant 256 : i32
    %mul3A_2 = arith.muli %add3A, %mul3A_1 : i32
    "tpu.region"() ({
      %run_scoped3A = tpu.sem_alloc : memref<!tpu.dma_semaphore, #tpu.memory_space<semaphore_mem>>
      %dma_start3A_42 = tpu.memref_slice %arg3[%mul3A_2] : memref<8192xi32, #tpu.memory_space<hbm>> -> memref<256xi32, #tpu.memory_space<hbm>>
      %dma_start3A_43 = tpu.memref_slice %arg3[%mul3A_2] : memref<8192xi32, #tpu.memory_space<hbm>> -> memref<256xi32, #tpu.memory_space<hbm>>
      tpu.enqueue_dma source(%dma_start3A_43 : memref<256xi32, #tpu.memory_space<hbm>>) target(%arg6 : memref<256xi32, #tpu.memory_space<vmem>>) target_semaphore(%run_scoped3A : memref<!tpu.dma_semaphore, #tpu.memory_space<semaphore_mem>>)
      %dma_wait3A_44 = tpu.memref_slice %arg3[%mul3A_2] : memref<8192xi32, #tpu.memory_space<hbm>> -> memref<256xi32, #tpu.memory_space<hbm>>
      %dma_wait3A_45 = tpu.memref_slice %arg3[%mul3A_2] : memref<8192xi32, #tpu.memory_space<hbm>> -> memref<256xi32, #tpu.memory_space<hbm>>
      tpu.wait_dma2 semaphore(%run_scoped3A : memref<!tpu.dma_semaphore, #tpu.memory_space<semaphore_mem>>) src(%dma_wait3A_45 : memref<256xi32, #tpu.memory_space<hbm>>) dst(%arg6 : memref<256xi32, #tpu.memory_space<vmem>>)
      tpu.yield
    }) : () -> ()
    %dma_start3A = arith.constant 0 : i32
    %dma_start3A_3 = tpu.memref_slice %arg6[%dma_start3A] : memref<256xi32, #tpu.memory_space<vmem>> -> memref<128xi32, #tpu.memory_space<vmem>>
    %dma_start3A_4 = arith.constant 0 : i32
    %dma_start3A_5 = arith.constant 0 : i32
    %dma_start3A_6 = tpu.memref_slice %arg2[%dma_start3A_4, %dma_start3A_5] : memref<8192x256xf32, #tpu.memory_space<hbm>> -> memref<8192x256xf32, #tpu.memory_space<hbm>>
    tpu.enqueue_indirect_dma source(%dma_start3A_6 : memref<8192x256xf32, #tpu.memory_space<hbm>>) target(%arg7 : memref<128x256xf32, #tpu.memory_space<vmem>>) offsets(%dma_start3A_3 : memref<128xi32, #tpu.memory_space<vmem>>) semaphore(%arg9 : memref<!tpu.dma_semaphore, #tpu.memory_space<semaphore_mem>>)
    %dma_wait3A = arith.constant 0 : i32
    %dma_wait3A_7 = tpu.memref_slice %arg6[%dma_wait3A] : memref<256xi32, #tpu.memory_space<vmem>> -> memref<128xi32, #tpu.memory_space<vmem>>
    %dma_wait3A_8 = arith.constant 0 : i32
    %dma_wait3A_9 = arith.constant 0 : i32
    %dma_wait3A_10 = tpu.memref_slice %arg2[%dma_wait3A_8, %dma_wait3A_9] : memref<8192x256xf32, #tpu.memory_space<hbm>> -> memref<8192x256xf32, #tpu.memory_space<hbm>>
    tpu.wait_indirect_dma semaphore(%arg9 : memref<!tpu.dma_semaphore, #tpu.memory_space<semaphore_mem>>) src(%dma_wait3A_10 : memref<8192x256xf32, #tpu.memory_space<hbm>>) dst(%arg7 : memref<128x256xf32, #tpu.memory_space<vmem>>)
    %add3A_11 = arith.constant 0 : i32
    %add3A_12 = arith.addi %mul3A_2, %add3A_11 : i32
    "tpu.region"() ({
      %run_scoped3A = tpu.sem_alloc : memref<!tpu.dma_semaphore, #tpu.memory_space<semaphore_mem>>
      %dma_start3A_42 = arith.constant 0 : i32
      %dma_start3A_43 = tpu.memref_slice %arg4[%add3A_12, %dma_start3A_42] : memref<8192x256xf32, #tpu.memory_space<hbm>> -> memref<128x256xf32, #tpu.memory_space<hbm>>
      %dma_start3A_44 = arith.constant 0 : i32
      %dma_start3A_45 = tpu.memref_slice %arg4[%add3A_12, %dma_start3A_44] : memref<8192x256xf32, #tpu.memory_space<hbm>> -> memref<128x256xf32, #tpu.memory_space<hbm>>
      tpu.enqueue_dma source(%dma_start3A_45 : memref<128x256xf32, #tpu.memory_space<hbm>>) target(%arg8 : memref<128x256xf32, #tpu.memory_space<vmem>>) target_semaphore(%run_scoped3A : memref<!tpu.dma_semaphore, #tpu.memory_space<semaphore_mem>>)
      %dma_wait3A_46 = arith.constant 0 : i32
      %dma_wait3A_47 = tpu.memref_slice %arg4[%add3A_12, %dma_wait3A_46] : memref<8192x256xf32, #tpu.memory_space<hbm>> -> memref<128x256xf32, #tpu.memory_space<hbm>>
      %dma_wait3A_48 = arith.constant 0 : i32
      %dma_wait3A_49 = tpu.memref_slice %arg4[%add3A_12, %dma_wait3A_48] : memref<8192x256xf32, #tpu.memory_space<hbm>> -> memref<128x256xf32, #tpu.memory_space<hbm>>
      tpu.wait_dma2 semaphore(%run_scoped3A : memref<!tpu.dma_semaphore, #tpu.memory_space<semaphore_mem>>) src(%dma_wait3A_49 : memref<128x256xf32, #tpu.memory_space<hbm>>) dst(%arg8 : memref<128x256xf32, #tpu.memory_space<vmem>>)
      tpu.yield
    }) : () -> ()
    %scan3A = arith.constant 0 : i32
    %scan3A_13 = arith.constant 0 : i32
    %scan3A_14 = arith.constant 128 : i32
    %scan3A_15 = arith.addi %scan3A_13, %scan3A_14 : i32
    %scan3A_16 = arith.constant 1 : i32
    %scan3A_17 = scf.for %scan3A_42 = %scan3A_13 to %scan3A_15 step %scan3A_16 iter_args(%scan3A_43 = %scan3A) -> (i32)  : i32 {
      %scan3A_44 = arith.constant 0 : i32
      %scan3A_45 = arith.constant 0 : i32
      %scan3A_46 = arith.constant 16 : i32
      %scan3A_47 = arith.addi %scan3A_45, %scan3A_46 : i32
      %scan3A_48 = arith.constant 1 : i32
      %scan3A_49 = scf.for %scan3A_52 = %scan3A_45 to %scan3A_47 step %scan3A_48 iter_args(%scan3A_53 = %scan3A_44) -> (i32)  : i32 {
        %mul3A_54 = arith.constant 16 : i32
        %mul3A_55 = arith.muli %scan3A_52, %mul3A_54 : i32
        %get3A = arith.index_cast %scan3A_42 : i32 to index
        %get3A_56 = arith.index_cast %mul3A_55 : i32 to index
        %get3A_57 = tpu.vector_load %arg8[%get3A, %get3A_56] {strides = array<i32>} : memref<128x256xf32, #tpu.memory_space<vmem>>, vector<1x16xf32>,
        %get3A_58 = vector.shape_cast %get3A_57 : vector<1x16xf32> to vector<16xf32>
        %mul3A_59 = arith.constant 16 : i32
        %mul3A_60 = arith.muli %scan3A_52, %mul3A_59 : i32
        %get3A_61 = arith.index_cast %scan3A_42 : i32 to index
        %get3A_62 = arith.index_cast %mul3A_60 : i32 to index
        %get3A_63 = tpu.vector_load %arg7[%get3A_61, %get3A_62] {strides = array<i32>} : memref<128x256xf32, #tpu.memory_space<vmem>>, vector<1x16xf32>,
        %get3A_64 = vector.shape_cast %get3A_63 : vector<1x16xf32> to vector<16xf32>
        %sub3A = arith.subf %get3A_64, %get3A_58 : vector<16xf32>
        %add3A_65 = arith.addf %get3A_58, %sub3A : vector<16xf32>
        %mul3A_66 = arith.constant 16 : i32
        %mul3A_67 = arith.muli %scan3A_52, %mul3A_66 : i32
        %swap3A = arith.index_cast %scan3A_42 : i32 to index
        %swap3A_68 = arith.index_cast %mul3A_67 : i32 to index
        %swap3A_69 = tpu.vector_load %arg7[%swap3A, %swap3A_68] {strides = array<i32>} : memref<128x256xf32, #tpu.memory_space<vmem>>, vector<1x16xf32>,
        %swap3A_70 = vector.shape_cast %swap3A_69 : vector<1x16xf32> to vector<16xf32>
        %swap3A_71 = vector.shape_cast %add3A_65 : vector<16xf32> to vector<1x16xf32>
        tpu.vector_store %arg7[%swap3A, %swap3A_68], %swap3A_71 {strides = array<i32>} : memref<128x256xf32, #tpu.memory_space<vmem>>, vector<1x16xf32>,
        %scan3A_72 = arith.constant 0 : i32
        scf.yield %scan3A_72 : i32
      }
      %scan3A_50 = arith.constant 16 : i32
      %scan3A_51 = arith.constant 0 : i32
      scf.yield %scan3A_51 : i32
    }
    %scan3A_18 = arith.constant 128 : i32
    %add3A_19 = arith.constant 0 : i32
    %add3A_20 = arith.addi %mul3A_2, %add3A_19 : i32
    "tpu.region"() ({
      %run_scoped3A = tpu.sem_alloc : memref<!tpu.dma_semaphore, #tpu.memory_space<semaphore_mem>>
      %dma_start3A_42 = arith.constant 0 : i32
      %dma_start3A_43 = tpu.memref_slice %arg5[%add3A_20, %dma_start3A_42] : memref<8192x256xf32, #tpu.memory_space<hbm>> -> memref<128x256xf32, #tpu.memory_space<hbm>>
      %dma_start3A_44 = arith.constant 0 : i32
      %dma_start3A_45 = tpu.memref_slice %arg5[%add3A_20, %dma_start3A_44] : memref<8192x256xf32, #tpu.memory_space<hbm>> -> memref<128x256xf32, #tpu.memory_space<hbm>>
      tpu.enqueue_dma source(%arg7 : memref<128x256xf32, #tpu.memory_space<vmem>>) target(%dma_start3A_45 : memref<128x256xf32, #tpu.memory_space<hbm>>) target_semaphore(%run_scoped3A : memref<!tpu.dma_semaphore, #tpu.memory_space<semaphore_mem>>)
      %dma_wait3A_46 = arith.constant 0 : i32
      %dma_wait3A_47 = tpu.memref_slice %arg5[%add3A_20, %dma_wait3A_46] : memref<8192x256xf32, #tpu.memory_space<hbm>> -> memref<128x256xf32, #tpu.memory_space<hbm>>
      %dma_wait3A_48 = arith.constant 0 : i32
      %dma_wait3A_49 = tpu.memref_slice %arg5[%add3A_20, %dma_wait3A_48] : memref<8192x256xf32, #tpu.memory_space<hbm>> -> memref<128x256xf32, #tpu.memory_space<hbm>>
      tpu.wait_dma2 semaphore(%run_scoped3A : memref<!tpu.dma_semaphore, #tpu.memory_space<semaphore_mem>>) src(%arg7 : memref<128x256xf32, #tpu.memory_space<vmem>>) dst(%dma_wait3A_49 : memref<128x256xf32, #tpu.memory_space<hbm>>)
      tpu.yield
    }) : () -> ()
    %dma_start3A_21 = arith.constant 128 : i32
    %dma_start3A_22 = tpu.memref_slice %arg6[%dma_start3A_21] : memref<256xi32, #tpu.memory_space<vmem>> -> memref<128xi32, #tpu.memory_space<vmem>>
    %dma_start3A_23 = arith.constant 0 : i32
    %dma_start3A_24 = arith.constant 0 : i32
    %dma_start3A_25 = tpu.memref_slice %arg2[%dma_start3A_23, %dma_start3A_24] : memref<8192x256xf32, #tpu.memory_space<hbm>> -> memref<8192x256xf32, #tpu.memory_space<hbm>>
    tpu.enqueue_indirect_dma source(%dma_start3A_25 : memref<8192x256xf32, #tpu.memory_space<hbm>>) target(%arg7 : memref<128x256xf32, #tpu.memory_space<vmem>>) offsets(%dma_start3A_22 : memref<128xi32, #tpu.memory_space<vmem>>) semaphore(%arg9 : memref<!tpu.dma_semaphore, #tpu.memory_space<semaphore_mem>>)
    %dma_wait3A_26 = arith.constant 128 : i32
    %dma_wait3A_27 = tpu.memref_slice %arg6[%dma_wait3A_26] : memref<256xi32, #tpu.memory_space<vmem>> -> memref<128xi32, #tpu.memory_space<vmem>>
    %dma_wait3A_28 = arith.constant 0 : i32
    %dma_wait3A_29 = arith.constant 0 : i32
    %dma_wait3A_30 = tpu.memref_slice %arg2[%dma_wait3A_28, %dma_wait3A_29] : memref<8192x256xf32, #tpu.memory_space<hbm>> -> memref<8192x256xf32, #tpu.memory_space<hbm>>
    tpu.wait_indirect_dma semaphore(%arg9 : memref<!tpu.dma_semaphore, #tpu.memory_space<semaphore_mem>>) src(%dma_wait3A_30 : memref<8192x256xf32, #tpu.memory_space<hbm>>) dst(%arg7 : memref<128x256xf32, #tpu.memory_space<vmem>>)
    %add3A_31 = arith.constant 128 : i32
    %add3A_32 = arith.addi %mul3A_2, %add3A_31 : i32
    "tpu.region"() ({
      %run_scoped3A = tpu.sem_alloc : memref<!tpu.dma_semaphore, #tpu.memory_space<semaphore_mem>>
      %dma_start3A_42 = arith.constant 0 : i32
      %dma_start3A_43 = tpu.memref_slice %arg4[%add3A_32, %dma_start3A_42] : memref<8192x256xf32, #tpu.memory_space<hbm>> -> memref<128x256xf32, #tpu.memory_space<hbm>>
      %dma_start3A_44 = arith.constant 0 : i32
      %dma_start3A_45 = tpu.memref_slice %arg4[%add3A_32, %dma_start3A_44] : memref<8192x256xf32, #tpu.memory_space<hbm>> -> memref<128x256xf32, #tpu.memory_space<hbm>>
      tpu.enqueue_dma source(%dma_start3A_45 : memref<128x256xf32, #tpu.memory_space<hbm>>) target(%arg8 : memref<128x256xf32, #tpu.memory_space<vmem>>) target_semaphore(%run_scoped3A : memref<!tpu.dma_semaphore, #tpu.memory_space<semaphore_mem>>)
      %dma_wait3A_46 = arith.constant 0 : i32
      %dma_wait3A_47 = tpu.memref_slice %arg4[%add3A_32, %dma_wait3A_46] : memref<8192x256xf32, #tpu.memory_space<hbm>> -> memref<128x256xf32, #tpu.memory_space<hbm>>
      %dma_wait3A_48 = arith.constant 0 : i32
      %dma_wait3A_49 = tpu.memref_slice %arg4[%add3A_32, %dma_wait3A_48] : memref<8192x256xf32, #tpu.memory_space<hbm>> -> memref<128x256xf32, #tpu.memory_space<hbm>>
      tpu.wait_dma2 semaphore(%run_scoped3A : memref<!tpu.dma_semaphore, #tpu.memory_space<semaphore_mem>>) src(%dma_wait3A_49 : memref<128x256xf32, #tpu.memory_space<hbm>>) dst(%arg8 : memref<128x256xf32, #tpu.memory_space<vmem>>)
      tpu.yield
    }) : () -> ()
    %scan3A_33 = arith.constant 0 : i32
    %scan3A_34 = arith.constant 0 : i32
    %scan3A_35 = arith.constant 128 : i32
    %scan3A_36 = arith.addi %scan3A_34, %scan3A_35 : i32
    %scan3A_37 = arith.constant 1 : i32
    %scan3A_38 = scf.for %scan3A_42 = %scan3A_34 to %scan3A_36 step %scan3A_37 iter_args(%scan3A_43 = %scan3A_33) -> (i32)  : i32 {
      %scan3A_44 = arith.constant 0 : i32
      %scan3A_45 = arith.constant 0 : i32
      %scan3A_46 = arith.constant 16 : i32
      %scan3A_47 = arith.addi %scan3A_45, %scan3A_46 : i32
      %scan3A_48 = arith.constant 1 : i32
      %scan3A_49 = scf.for %scan3A_52 = %scan3A_45 to %scan3A_47 step %scan3A_48 iter_args(%scan3A_53 = %scan3A_44) -> (i32)  : i32 {
        %mul3A_54 = arith.constant 16 : i32
        %mul3A_55 = arith.muli %scan3A_52, %mul3A_54 : i32
        %get3A = arith.index_cast %scan3A_42 : i32 to index
        %get3A_56 = arith.index_cast %mul3A_55 : i32 to index
        %get3A_57 = tpu.vector_load %arg8[%get3A, %get3A_56] {strides = array<i32>} : memref<128x256xf32, #tpu.memory_space<vmem>>, vector<1x16xf32>,
        %get3A_58 = vector.shape_cast %get3A_57 : vector<1x16xf32> to vector<16xf32>
        %mul3A_59 = arith.constant 16 : i32
        %mul3A_60 = arith.muli %scan3A_52, %mul3A_59 : i32
        %get3A_61 = arith.index_cast %scan3A_42 : i32 to index
        %get3A_62 = arith.index_cast %mul3A_60 : i32 to index
        %get3A_63 = tpu.vector_load %arg7[%get3A_61, %get3A_62] {strides = array<i32>} : memref<128x256xf32, #tpu.memory_space<vmem>>, vector<1x16xf32>,
        %get3A_64 = vector.shape_cast %get3A_63 : vector<1x16xf32> to vector<16xf32>
        %sub3A = arith.subf %get3A_64, %get3A_58 : vector<16xf32>
        %add3A_65 = arith.addf %get3A_58, %sub3A : vector<16xf32>
        %mul3A_66 = arith.constant 16 : i32
        %mul3A_67 = arith.muli %scan3A_52, %mul3A_66 : i32
        %swap3A = arith.index_cast %scan3A_42 : i32 to index
        %swap3A_68 = arith.index_cast %mul3A_67 : i32 to index
        %swap3A_69 = tpu.vector_load %arg7[%swap3A, %swap3A_68] {strides = array<i32>} : memref<128x256xf32, #tpu.memory_space<vmem>>, vector<1x16xf32>,
        %swap3A_70 = vector.shape_cast %swap3A_69 : vector<1x16xf32> to vector<16xf32>
        %swap3A_71 = vector.shape_cast %add3A_65 : vector<16xf32> to vector<1x16xf32>
        tpu.vector_store %arg7[%swap3A, %swap3A_68], %swap3A_71 {strides = array<i32>} : memref<128x256xf32, #tpu.memory_space<vmem>>, vector<1x16xf32>,
        %scan3A_72 = arith.constant 0 : i32
        scf.yield %scan3A_72 : i32
      }
      %scan3A_50 = arith.constant 16 : i32
      %scan3A_51 = arith.constant 0 : i32
      scf.yield %scan3A_51 : i32
    }
    %scan3A_39 = arith.constant 128 : i32
    %add3A_40 = arith.constant 128 : i32
    %add3A_41 = arith.addi %mul3A_2, %add3A_40 : i32
    "tpu.region"() ({
      %run_scoped3A = tpu.sem_alloc : memref<!tpu.dma_semaphore, #tpu.memory_space<semaphore_mem>>
      %dma_start3A_42 = arith.constant 0 : i32
      %dma_start3A_43 = tpu.memref_slice %arg5[%add3A_41, %dma_start3A_42] : memref<8192x256xf32, #tpu.memory_space<hbm>> -> memref<128x256xf32, #tpu.memory_space<hbm>>
      %dma_start3A_44 = arith.constant 0 : i32
      %dma_start3A_45 = tpu.memref_slice %arg5[%add3A_41, %dma_start3A_44] : memref<8192x256xf32, #tpu.memory_space<hbm>> -> memref<128x256xf32, #tpu.memory_space<hbm>>
      tpu.enqueue_dma source(%arg7 : memref<128x256xf32, #tpu.memory_space<vmem>>) target(%dma_start3A_45 : memref<128x256xf32, #tpu.memory_space<hbm>>) target_semaphore(%run_scoped3A : memref<!tpu.dma_semaphore, #tpu.memory_space<semaphore_mem>>)
      %dma_wait3A_46 = arith.constant 0 : i32
      %dma_wait3A_47 = tpu.memref_slice %arg5[%add3A_41, %dma_wait3A_46] : memref<8192x256xf32, #tpu.memory_space<hbm>> -> memref<128x256xf32, #tpu.memory_space<hbm>>
      %dma_wait3A_48 = arith.constant 0 : i32
      %dma_wait3A_49 = tpu.memref_slice %arg5[%add3A_41, %dma_wait3A_48] : memref<8192x256xf32, #tpu.memory_space<hbm>> -> memref<128x256xf32, #tpu.memory_space<hbm>>
      tpu.wait_dma2 semaphore(%run_scoped3A : memref<!tpu.dma_semaphore, #tpu.memory_space<semaphore_mem>>) src(%arg7 : memref<128x256xf32, #tpu.memory_space<vmem>>) dst(%dma_wait3A_49 : memref<128x256xf32, #tpu.memory_space<hbm>>)
      tpu.yield
    }) : () -> ()
    return
  }
}

module attributes {stable_mosaic.version = 14 : i64} {
  func.func @_argmin_body(%arg0: i32, %arg1: i32, %arg2: memref<512x1xf32, #tpu.memory_space<vmem>>, %arg3: memref<1x2816xf32, #tpu.memory_space<vmem>>, %arg4: memref<512x256xf32, #tpu.memory_space<vmem>>, %arg5: memref<256x2816xbf16, #tpu.memory_space<vmem>>, %arg6: memref<512xi32, #tpu.memory_space<vmem>>, %arg7: memref<8192x1xf32, #tpu.memory_space<vmem>>, %arg8: memref<8192x1xi32, #tpu.memory_space<vmem>>) attributes {dimension_semantics = [#tpu.dimension_semantics<arbitrary>, #tpu.dimension_semantics<arbitrary>], iteration_bounds = array<i64: 3, 16>, scalar_prefetch = 0 : i64, scratch_operands = 2 : i64, tpu.core_type = #tpu.core_type<tc>, window_params = [{transform_indices = @transform_0, window_bounds = array<i64: 512, 1>}, {transform_indices = @transform_1, window_bounds = array<i64: 1, 2816>}, {transform_indices = @transform_2, window_bounds = array<i64: 512, 256>}, {transform_indices = @transform_3, window_bounds = array<i64: 256, 2816>}, {transform_indices = @transform_4, window_bounds = array<i64: 512>}]} {
    %get3A = arith.constant 0 : index
    %get3A_0 = arith.constant 0 : index
    %get3A_1 = vector.load %arg4[%get3A, %get3A_0] : memref<512x256xf32, #tpu.memory_space<vmem>>, vector<512x256xf32>
    %convert_element_type3A = arith.truncf %get3A_1 : vector<512x256xf32> to vector<512x256xbf16>
    %get3A_2 = arith.constant 0 : index
    %get3A_3 = arith.constant 0 : index
    %get3A_4 = vector.load %arg5[%get3A_2, %get3A_3] : memref<256x2816xbf16, #tpu.memory_space<vmem>>, vector<256x2816xbf16>
    %dot_general3A = arith.constant dense<0.000000e+00> : vector<512x2816xf32>
    %dot_general3A_5 = tpu.matmul %convert_element_type3A, %get3A_4, %dot_general3A {dimension_numbers = #tpu.dot_dimension_numbers<[1], [0], [0], [1], [0, 0, 1, 1], [], []>, transpose_lhs_hint = false} : vector<512x256xbf16>, vector<256x2816xbf16>, vector<512x2816xf32> -> vector<512x2816xf32>
    %get3A_6 = arith.constant 0 : index
    %get3A_7 = arith.constant 0 : index
    %get3A_8 = vector.load %arg2[%get3A_6, %get3A_7] : memref<512x1xf32, #tpu.memory_space<vmem>>, vector<512x1xf32>
    %get3A_9 = arith.constant 0 : index
    %get3A_10 = arith.constant 0 : index
    %get3A_11 = vector.load %arg3[%get3A_9, %get3A_10] : memref<1x2816xf32, #tpu.memory_space<vmem>>, vector<1x2816xf32>
    %add3A = vector.broadcast %get3A_8 : vector<512x1xf32> to vector<512x2816xf32>
    %add3A_12 = vector.broadcast %get3A_11 : vector<1x2816xf32> to vector<512x2816xf32>
    %add3A_13 = arith.addf %add3A, %add3A_12 : vector<512x2816xf32>
    %sub3A = arith.subf %add3A_13, %dot_general3A_5 : vector<512x2816xf32>
    %reduce_min3A = arith.constant dense<0x7F800000> : vector<512xf32>
    %reduce_min3A_14 = vector.multi_reduction <minimumf>, %sub3A, %reduce_min3A [1] : vector<512x2816xf32> to vector<512xf32>
    %broadcast_in_dim3A = vector.shape_cast %reduce_min3A_14 : vector<512xf32> to vector<512x1xf32>
    %iota3A = tpu.iota {dimensions = array<i32: 1>} : vector<512x2816xi32>
    %eq3A = vector.broadcast %broadcast_in_dim3A : vector<512x1xf32> to vector<512x2816xf32>
    %eq3A_15 = arith.cmpf oeq, %sub3A, %eq3A : vector<512x2816xf32>
    %jit3A = arith.constant 8448 : i32
    %broadcast_in_dim3A_16 = vector.broadcast %jit3A : i32 to vector<512x2816xi32>
    %select_n3A = arith.select %eq3A_15, %iota3A, %broadcast_in_dim3A_16 : vector<512x2816xi1>, vector<512x2816xi32>
    %reduce_min3A_17 = arith.constant dense<2147483647> : vector<512xi32>
    %reduce_min3A_18 = vector.multi_reduction <minsi>, %select_n3A, %reduce_min3A_17 [1] : vector<512x2816xi32> to vector<512xi32>
    %broadcast_in_dim3A_19 = vector.shape_cast %reduce_min3A_18 : vector<512xi32> to vector<512x1xi32>
    %mul3A = arith.constant 2816 : i32
    %mul3A_20 = arith.muli %arg0, %mul3A : i32
    %add3A_21 = vector.broadcast %mul3A_20 : i32 to vector<512x1xi32>
    %add3A_22 = arith.addi %broadcast_in_dim3A_19, %add3A_21 : vector<512x1xi32>
    %convert_element_type3A_23 = arith.truncf %broadcast_in_dim3A : vector<512x1xf32> to vector<512x1xbf16>
    %convert_element_type3A_24 = arith.extf %convert_element_type3A_23 : vector<512x1xbf16> to vector<512x1xf32>
    %mul3A_25 = arith.constant 512 : i32
    %mul3A_26 = arith.muli %arg1, %mul3A_25 : i32
    %eq3A_27 = arith.constant 0 : i32
    %eq3A_28 = arith.cmpi eq, %arg0, %eq3A_27 : i32
    %convert_element_type3A_29 = arith.extui %eq3A_28 : i1 to i32
    %cond3A = arith.constant 0 : i32
    %cond3A_30 = arith.cmpi ne, %convert_element_type3A_29, %cond3A : i32
    scf.if %cond3A_30 {
      %swap3A = arith.index_cast %mul3A_26 : i32 to index
      %swap3A_40 = arith.constant 0 : index
      %swap3A_41 = vector.load %arg7[%swap3A, %swap3A_40] : memref<8192x1xf32, #tpu.memory_space<vmem>>, vector<512x1xf32>
      tpu.vector_store %arg7[%swap3A, %swap3A_40], %convert_element_type3A_24 {strides = array<i32>} : memref<8192x1xf32, #tpu.memory_space<vmem>>, vector<512x1xf32>,
      %swap3A_42 = arith.index_cast %mul3A_26 : i32 to index
      %swap3A_43 = arith.constant 0 : index
      %swap3A_44 = vector.load %arg8[%swap3A_42, %swap3A_43] : memref<8192x1xi32, #tpu.memory_space<vmem>>, vector<512x1xi32>
      tpu.vector_store %arg8[%swap3A_42, %swap3A_43], %add3A_22 {strides = array<i32>} : memref<8192x1xi32, #tpu.memory_space<vmem>>, vector<512x1xi32>,
    } else {
    }
    %gt3A = arith.constant 0 : i32
    %gt3A_31 = arith.cmpi sgt, %arg0, %gt3A : i32
    %convert_element_type3A_32 = arith.extui %gt3A_31 : i1 to i32
    %cond3A_33 = arith.constant 0 : i32
    %cond3A_34 = arith.cmpi ne, %convert_element_type3A_32, %cond3A_33 : i32
    scf.if %cond3A_34 {
      %get3A_40 = arith.index_cast %mul3A_26 : i32 to index
      %get3A_41 = arith.constant 0 : index
      %get3A_42 = vector.load %arg7[%get3A_40, %get3A_41] : memref<8192x1xf32, #tpu.memory_space<vmem>>, vector<512x1xf32>
      %le3A = arith.cmpf ole, %get3A_42, %broadcast_in_dim3A : vector<512x1xf32>
      %get3A_43 = arith.index_cast %mul3A_26 : i32 to index
      %get3A_44 = arith.constant 0 : index
      %get3A_45 = vector.load %arg8[%get3A_43, %get3A_44] : memref<8192x1xi32, #tpu.memory_space<vmem>>, vector<512x1xi32>
      %select_n3A_46 = arith.select %le3A, %get3A_45, %add3A_22 : vector<512x1xi1>, vector<512x1xi32>
      %swap3A = arith.index_cast %mul3A_26 : i32 to index
      %swap3A_47 = arith.constant 0 : index
      %swap3A_48 = vector.load %arg8[%swap3A, %swap3A_47] : memref<8192x1xi32, #tpu.memory_space<vmem>>, vector<512x1xi32>
      tpu.vector_store %arg8[%swap3A, %swap3A_47], %select_n3A_46 {strides = array<i32>} : memref<8192x1xi32, #tpu.memory_space<vmem>>, vector<512x1xi32>,
      %get3A_49 = arith.index_cast %mul3A_26 : i32 to index
      %get3A_50 = arith.constant 0 : index
      %get3A_51 = vector.load %arg7[%get3A_49, %get3A_50] : memref<8192x1xf32, #tpu.memory_space<vmem>>, vector<512x1xf32>
      %select_n3A_52 = arith.select %le3A, %get3A_51, %convert_element_type3A_24 : vector<512x1xi1>, vector<512x1xf32>
      %swap3A_53 = arith.index_cast %mul3A_26 : i32 to index
      %swap3A_54 = arith.constant 0 : index
      %swap3A_55 = vector.load %arg7[%swap3A_53, %swap3A_54] : memref<8192x1xf32, #tpu.memory_space<vmem>>, vector<512x1xf32>
      tpu.vector_store %arg7[%swap3A_53, %swap3A_54], %select_n3A_52 {strides = array<i32>} : memref<8192x1xf32, #tpu.memory_space<vmem>>, vector<512x1xf32>,
    } else {
    }
    %eq3A_35 = arith.constant 2 : i32
    %eq3A_36 = arith.cmpi eq, %arg0, %eq3A_35 : i32
    %convert_element_type3A_37 = arith.extui %eq3A_36 : i1 to i32
    %cond3A_38 = arith.constant 0 : i32
    %cond3A_39 = arith.cmpi ne, %convert_element_type3A_37, %cond3A_38 : i32
    scf.if %cond3A_39 {
      %get3A_40 = arith.index_cast %mul3A_26 : i32 to index
      %get3A_41 = arith.constant 0 : index
      %get3A_42 = vector.load %arg8[%get3A_40, %get3A_41] : memref<8192x1xi32, #tpu.memory_space<vmem>>, vector<512x1xi32>
      %squeeze3A = vector.shape_cast %get3A_42 : vector<512x1xi32> to vector<512xi32>
      %swap3A = arith.constant 0 : index
      %swap3A_43 = vector.load %arg6[%swap3A] : memref<512xi32, #tpu.memory_space<vmem>>, vector<512xi32>
      tpu.vector_store %arg6[%swap3A], %squeeze3A {strides = array<i32>} : memref<512xi32, #tpu.memory_space<vmem>>, vector<512xi32>,
    } else {
    }
    return
  }
  func.func @transform_0(%arg0: i32, %arg1: i32) -> (i32, i32) {
    %c0_i32 = arith.constant 0 : i32
    %c0_i32_0 = arith.constant 0 : i32
    return %arg1, %c0_i32 : i32, i32
  }
  func.func @transform_1(%arg0: i32, %arg1: i32) -> (i32, i32) {
    %c0_i32 = arith.constant 0 : i32
    %c0_i32_0 = arith.constant 0 : i32
    return %c0_i32, %arg0 : i32, i32
  }
  func.func @transform_2(%arg0: i32, %arg1: i32) -> (i32, i32) {
    %c0_i32 = arith.constant 0 : i32
    %c0_i32_0 = arith.constant 0 : i32
    return %arg1, %c0_i32 : i32, i32
  }
  func.func @transform_3(%arg0: i32, %arg1: i32) -> (i32, i32) {
    %c0_i32 = arith.constant 0 : i32
    %c0_i32_0 = arith.constant 0 : i32
    return %c0_i32, %arg0 : i32, i32
  }
  func.func @transform_4(%arg0: i32, %arg1: i32) -> i32 {
    %c0_i32 = arith.constant 0 : i32
    return %arg1 : i32
  }
}

</mosaic_0001>

<sc_bundles>
// kernel: kernel.6.cloned.1.call-start
scs
__scs_entry_jumppad:
0x0: {  	(pc) =	sbr.rel $0x88, $3  }
0x1: {  	(tag) =	ssettag $0x0;
	lr =	simm.s32 $0x1  }
0x2: {  	[smem:$0x3F9F] =	sst lr;
	_ =	strace $0xD0000000  }
0x3: {  	_ = 	snop  }
0x4: {  	_ = 	snop  }
0x5: {  	_ = 	snop  }
0x6: {  	_ = 	snop  }
0x7: {  	_ = 	snop  }
__scs_overlays_trampoline_lowered:
0x8: {  	[smem:$0x3FAE] =	sst s0  }
0x9: {  	[smem:$0x3FAF] =	sst s1  }
0xa: {  	[smem:$0x3FB0] =	sst s2  }
0xb: {  	[smem:$0x3FB1] =	sst s3  }
0xc: {  	[smem:$0x3FB2] =	sst s4  }
0xd: {  	[smem:$0x3FB3] =	sst s5  }
0xe: {  	[smem:$0x3FB4] =	sst s6  }
0xf: {  	[smem:$0x3FB5] =	sst s7  }
0x10: {  	[smem:$0x3FB6] =	sst s8  }
0x11: {  	[smem:$0x3FB7] =	sst s9;
	s0 =	simm.s32 @!p0 $0x0  }
0x12: {  	s1 =	sld [smem:$0x3F9D];
	s0 =	simm.s32 @p0 $0x1  }
0x13: {  	[smem:$0x3FB8] =	sst s0;
	s0 =	simm.s32 @!p1 $0x0  }
0x14: {  	s2 =	sld [smem:$0x3F9C];
	s0 =	simm.s32 @p1 $0x1  }
0x15: {  	[smem:$0x3FB9] =	sst s0;
	s0 =	simm.s32 @!p2 $0x0  }
0x16: {  	s3 =	sld [smem:$0x3FDB];
	s0 =	simm.s32 @p2 $0x1  }
0x17: {  	s4 =	simm.s32 $0x1BF5;
	[smem:$0x3FBB] =	sst s0  }
0x18: {  	s0 =	sld [smem:$0x3F9E];
	_ =	swait.ge [sflag:s4], $0x0  }
0x19: {  	s7 =	sld [smem:$0x3F9F]  }
0x1a: {  	s8 =	sadd.s32 $0xFFFFE003, lr  }
0x1b: {  	s9 =	sadd.s32 $0xFFFFFEF7, lr;
	s5 =	simm.s32 $0xFFFFFFFF;
	p2 =	slt.u32 s8, $0xFFFFF086  }
0x1c: {  	p1 =	slt.u32 s9, $0xF7A;
	s5 =	simm.s32 @!p2 $0x0  }
0x1d: {  	s5 =	simm.s32 @p1 $0x1;
	p0 =	seq.s32 s7, s2  }
0x1e: {  	s7 =	smul.u32 @!p0 $0xF7A, s2;
	p2 =	seq.s32 @!p0 s5, $0x0  }
0x1f: {  	s9 =	smul.u32 $0xF7A, s1;
	s8 =	simm.s32 @!p0 $0x1BF5;
	p2 =	por !p2, p0  }
0x20: {  	[sflag:s8] =	ssyncset.s32 @!p0 $0xFFFFF086;
	s6 =	sadd.s32 @!p0 s3, s7;
	s7 =	simm.s32 @!p0 $0x108  }
0x21: {  	s3 =	sadd.s32 s3, s9;
	s6 =	sadd.s32 @!p0 $0x88, s6;
	s7 =	simm.s32 @p2 $0x1082  }
0x22: {  	[simem:s7], [sflag:s8] =	dma.local @!p0 [hbm:s6], $0xF7A  }
0x23: {  	s9 =	sor.u32 $0xD0000000, s2;
	s6 =	simm.s32 $0x108;
	_ =	swait.ge @!p0 [sflag:s8], $0x0  }
0x24: {  	s3 =	sadd.s32 $0x88, s3;
	s6 =	simm.s32 @!p1 $0x1082;
	[sflag:s4] =	ssyncset.s32 $0xFFFFF086  }
0x25: {  	[simem:s6], [sflag:s4] =	dma.local [hbm:s3], $0xF7A  }
0x26: {  	[smem:$0x3F9F] =	sst s1;
	(tag) =	ssettag s2;
	_ =	strace s9  }
0x27: {  	s1 =	sld [smem:$0x3FAF]  }
0x28: {  	s2 =	sld [smem:$0x3FB0]  }
0x29: {  	s4 =	sld [smem:$0x3FB2]  }
0x2a: {  	p0 =	seq.s32 s5, $0x0;
	s5 =	sld [smem:$0x3FB3]  }
0x2b: {  	s6 =	sld [smem:$0x3FB4]  }
0x2c: {  	s7 =	sld [smem:$0x3FB5]  }
0x2d: {  	s3 =	simm.s32 $0x108;
	s8 =	sld [smem:$0x3FB6]  }
0x2e: {  	s3 =	simm.s32 @!p0 $0x1082;
	s9 =	sld [smem:$0x3FB7]  }
0x2f: {  	lr =	sadd.s32 s0, s3;
	s0 =	sld [smem:$0x3FAE]  }
0x30: {  	s3 =	sld [smem:$0x3FB1]  }
0x31: {  	[smem:$0x3FBA] =	sst s10  }
0x32: {  	s10 =	sld [smem:$0x3FB8];
	_ =	sdelay $0x3  }
0x33: {  	p0 =	seq.s32 s10, $0x1;
	s10 =	sld [smem:$0x3FBA];
	_ =	sdelay $0x3  }
0x34: {  	[smem:$0x3FBA] =	sst s10  }
0x35: {  	s10 =	sld [smem:$0x3FB9];
	_ =	sdelay $0x3  }
0x36: {  	p1 =	seq.s32 s10, $0x1;
	s10 =	sld [smem:$0x3FBA];
	_ =	sdelay $0x3  }
0x37: {  	[smem:$0x3FBA] =	sst s10  }
0x38: {  	s10 =	sld [smem:$0x3FBB]  }
0x39: {  	_ = 	snop;
	(pc) =	sbr.ind lr, $3  }
0x3a: {  	_ = 	snop  }
0x3b: {  	_ = 	snop  }
0x3c: {  	p2 =	seq.s32 s10, $0x1;
	s10 =	sld [smem:$0x3FBA]  }
0x3d: {  	_ =	shalt  }
0x3e: {  	_ =	shalt  }
0x3f: {  	_ =	shalt  }
0x40: {  	_ =	shalt  }
0x41: {  	_ =	shalt  }
0x42: {  	_ =	shalt  }
0x43: {  	_ =	shalt  }
0x44: {  	_ =	shalt  }
0x45: {  	_ =	shalt  }
0x46: {  	_ =	shalt  }
0x47: {  	_ =	shalt  }
0x48: {  	_ =	shalt  }
0x49: {  	_ =	shalt  }
0x4a: {  	_ =	shalt  }
0x4b: {  	_ =	shalt  }
0x4c: {  	_ =	shalt  }
0x4d: {  	_ =	shalt  }
0x4e: {  	_ =	shalt  }
0x4f: {  	_ =	shalt  }
0x50: {  	_ =	shalt  }
0x51: {  	_ =	shalt  }
0x52: {  	_ =	shalt  }
0x53: {  	_ =	shalt  }
0x54: {  	_ =	shalt  }
0x55: {  	_ =	shalt  }
0x56: {  	_ =	shalt  }
0x57: {  	_ =	shalt  }
0x58: {  	_ =	shalt  }
0x59: {  	_ =	shalt  }
0x5a: {  	_ =	shalt  }
0x5b: {  	_ =	shalt  }
0x5c: {  	_ =	shalt  }
0x5d: {  	_ =	shalt  }
0x5e: {  	_ =	shalt  }
0x5f: {  	_ =	shalt  }
0x60: {  	_ =	shalt  }
0x61: {  	_ =	shalt  }
0x62: {  	_ =	shalt  }
0x63: {  	_ =	shalt  }
0x64: {  	_ =	shalt  }
0x65: {  	_ =	shalt  }
0x66: {  	_ =	shalt  }
0x67: {  	_ =	shalt  }
0x68: {  	_ =	shalt  }
0x69: {  	_ =	shalt  }
0x6a: {  	_ =	shalt  }
0x6b: {  	_ =	shalt  }
0x6c: {  	_ =	shalt  }
0x6d: {  	_ =	shalt  }
0x6e: {  	_ =	shalt  }
0x6f: {  	_ =	shalt  }
0x70: {  	_ =	shalt  }
0x71: {  	_ =	shalt  }
0x72: {  	_ =	shalt  }
0x73: {  	_ =	shalt  }
0x74: {  	_ =	shalt  }
0x75: {  	_ =	shalt  }
0x76: {  	_ =	shalt  }
0x77: {  	_ =	shalt  }
0x78: {  	_ =	shalt  }
0x79: {  	_ =	shalt  }
0x7a: {  	_ =	shalt  }
0x7b: {  	_ =	shalt  }
0x7c: {  	_ =	shalt  }
0x7d: {  	_ =	shalt  }
0x7e: {  	_ =	shalt  }
0x7f: {  	_ =	shalt  }
0x80: {  	_ =	shalt  }
0x81: {  	_ =	shalt  }
0x82: {  	_ =	shalt  }
0x83: {  	_ =	shalt  }
0x84: {  	_ =	shalt  }
0x85: {  	_ =	shalt  }
0x86: {  	_ =	shalt  }
0x87: {  	_ =	shalt  }
.Lfunc_end0:
.L_simem_size_0:
called_computation_lowered:
.L_overlay_start_0:
0x88: {  	s2 =	sld [smem:$0x3FD9]  }
0x89: {  	s3 =	sld [smem:$0x3FFE];
	_ =	sdelay $0x1  }
0x8a: {  	s1 =	srdreg.scid  }
0x8b: {  	s0 =	sand.u32 $0x1, s1  }
0x8c: {  	s17 =	sshll.u32 s0, $0xA;
	s2 =	sadd.s32 s3, s2  }
0x8d: {  	s2 =	sadd.s32 s2, s17  }
0x8e: {  	[smem:$0x3FC6] =	sst s2  }
0x8f: {  	_ = 	snop  }
0x90: {  	s18 =	sld [smem:$0x3FD0];
	(tm) =	ssettm $0x1  }
0x91: {  	s19 =	sld [smem:$0x3FFB];
	_ =	sdelay $0x3  }
0x92: {  	_ =	strace s19  }
0x93: {  	s2 =	sld [smem:$0x3FFC];
	_ =	sdelay $0x3  }
0x94: {  	_ =	strace s2  }
0x95: {  	s2 =	sld [smem:$0x3FFD];
	_ =	sdelay $0x3  }
0x96: {  	_ =	strace s2  }
0x97: {  	_ =	strace $0x8FFFFFFF  }
0x98: {  	s20 =	sld [smem:$0x3FDB];
	_ =	sdelay $0x1  }
0x99: {  	s4 =	simm.s32 $_scs_section_size  }
0x9a: {  	s5 =	simm.s32 $_size__tile_overlayer_lowered;
	s6 =	simm.s32 $_tile_overlayer_lowered  }
0x9b: {  	s7 =	simm.s32 $0x1BFF;
	s21 =	sshll.u32 s6, $0x1;
	s4 =	sadd.s32 s4, s20  }
0x9c: {  	s22 =	simm.s32 $0x0;
	s5 =	sshll.u32 s5, $0x1;
	s6 =	sadd.s32 s21, s4  }
0x9d: {  	[timem:s22], [sflag:s7] =	dma.local [hbm:s6], s5  }
0x9e: {  	_ =	swait.ge [sflag:s7], s5  }
0x9f: {  	s5 =	ssub.s32 $0x0, s5;
	[sflag:s7] =	ssyncset.done $0x0  }
0xa0: {  	[sflag:s7] =	ssyncadd.s32 s5;
	_ =	sdelay $0x1  }
0xa1: {  	s23 =	simm.s32 $0x1B8B  }
0xa2: {  	_ =	swait.ge [sflag:s23], $0x1  }
0xa3: {  	[sflag:s23] =	ssyncset.done $0x0  }
0xa4: {  	[sflag:s23] =	ssyncadd.s32 $0xFFFFFFFF  }
0xa5: {  	s5 =	sld [smem:$0x0]  }
0xa6: {  	s6 =	sand.u32 $0xFFFFFFFE, s1  }
0xa7: {  	p0 =	sne.s32 s1, s6  }
0xa8: {  	s6 =	sshll.u32 @p0 s6, $0xE  }
0xa9: {  	s6 =	sadd.s32 @p0 $0x11B8D, s6;
	s7 =	sshll.u32 @p0 s5, $0x11  }
0xaa: {  	s6 =	sor.u32 @p0 s7, s6  }
0xab: {  	[sflag:s6] =	ssyncadd.remote.s32 @p0 $0x1;
	_ =	sdelay $0x1  }
0xac: {  	s6 =	simm.s32 @p0 $0x1B8D  }
0xad: {  	_ =	swait.eq @p0 [sflag:s6], $0x1  }
0xae: {  	[sflag:s6] =	ssyncadd.s32 @p0 $0xFFFFFFFF  }
0xaf: {  	s7 =	sshll.u32 @!p0 s1, $0xE  }
0xb0: {  	s7 =	sor.u32 @!p0 $0x4000, s7;
	s6 =	simm.s32 @!p0 $0x1B8D  }
0xb1: {  	s5 =	sshll.u32 @!p0 s5, $0x11;
	s7 =	sadd.s32 @!p0 $0x11B8D, s7;
	_ =	swait.eq @!p0 [sflag:s6], $0x1  }
0xb2: {  	s5 =	sor.u32 @!p0 s5, s7;
	[sflag:s6] =	ssyncadd.s32 @!p0 $0xFFFFFFFF  }
0xb3: {  	s25 =	simm.s32 $0x1B8E;
	s24 =	sld [smem:$0x3FFE];
	[sflag:s5] =	ssyncadd.remote.s32 @!p0 $0x1  }
0xb4: {  	s26 =	simm.s32 $execute0_lowered;
	[smem:$0x3FD2] =	sst s25  }
0xb5: {  	s6 =	sshll.u32 s26, $0x1;
	_ =	strace $0x80000049;
	[dreg:$0x1] =	wrdreg $0xFFFFFFFF  }
0xb6: {  	s28 =	simm.s32 $_size_execute0_lowered;
	s4 =	sadd.s32 s4, s6;
	[dreg:$0x0] =	wrdreg $0x0  }
0xb7: {  	s6 =	sshll.u32 s28, $0x1;
	[dreg:$0x2] =	wrdreg s4  }
0xb8: {  	[dreg:$0x3] =	wrdreg s6  }
0xb9: {  	[dreg:$0x4] =	wrdreg $0xC0  }
0xba: {  	_ =	task [dreg:s22], $0x5FFFF  }
0xbb: {  	[dreg:$0x1] =	wrdreg $0xFFFFFFFF  }
0xbc: {  	[dreg:$0x0] =	wrdreg $0x60  }
0xbd: {  	[dreg:$0x2] =	wrdreg s18  }
0xbe: {  	[dreg:$0x3] =	wrdreg s24  }
0xbf: {  	[dreg:$0x4] =	wrdreg $0x9  }
0xc0: {  	_ =	task.clear_ibuf [dreg:s22], $0x5FFFF;
	_ =	strace $0x90000049  }
0xc1: {  	s29 =	simm.s32 $0x9;
	_ =	strace $0x8000004B  }
0xc2: {  	_ =	swait.ge [sflag:s29], $0x1  }
0xc3: {  	[sflag:s29] =	ssyncadd.s32 $0xFFFFFFFF  }
0xc4: {  	_ =	strace $0x9000004B  }
0xc5: {  	_ =	sfence  }
0xc6: {  	s30 =	sld [smem:$0x0];
	_ =	sdelay $0x2  }
0xc7: {  	s31 =	sshll.u32 s1, $0xD;
	s1 =	sshrl.u32 s1, $0x2  }
0xc8: {  	s4 =	sand.u32 $0x4000, s31;
	s1 =	sadd.s32 s1, s30  }
0xc9: {  	s0 =	sor.u32 s4, s0;
	s1 =	sshll.u32 s1, $0x11  }
0xca: {  	s0 =	sor.u32 s1, s0  }
0xcb: {  	s0 =	sadd.s32 $0x8F2B, s0  }
0xcc: {  	[sflag:s0] =	ssyncadd.remote.s32 $0x1  }
0xcd: {  	_ =	sfence.sel $0xFFFF  }
0xce: {  	[dreg:$0x0] =	wrdreg $0xFFFFFFFF;
	(pc) =	sbr.abs _section_cstart, $3  }
0xcf: {  	[dreg:$0x1] =	wrdreg $0xFFFFFFFF  }
0xd0: {  	_ =	task.clear_ibuf [dreg:s22], $0x2FFFF;
	_ =	strace $0x9FFFFFFF  }
0xd1: {  	(tm) =	ssettm $0x7FFFFFFF  }
tec
execute0_lowered:
.L_overlay_start_1:
0x0: {  	(tag) =	ssettag $0x1  }
0x1: {  	s2 =	rddreg [dreg:$0x0]  }
0x2: {  	s0 =	rddreg [dreg:$0x1]  }
0x3: {  	s1 =	srdreg.scid;
	s4 =	stileid.u32  }
0x4: {  	s3 =	simm.s32 $0x0;
	s10 =	simm.s32 $0x2;
	s11 =	simm.s32 $0x100  }
0x5: {  	s13 =	simm.s32 $0x1100;
	s14 =	simm.s32 $0x1900;
	s15 =	simm.s32 $0x2100  }
0x6: {  	s16 =	simm.s32 $0x2900;
	s17 =	simm.s32 $0x3100;
	s18 =	simm.s32 $0x3900  }
0x7: {  	s19 =	simm.s32 $0x4100;
	s20 =	simm.s32 $0x4900;
	s21 =	simm.s32 $0x5100  }
0x8: {  	s22 =	simm.s32 $0x5900;
	s23 =	simm.s32 $0x6100;
	s24 =	simm.s32 $0x6900  }
0x9: {  	s28 =	simm.s32 $0x1;
	s29 =	simm.s32 $0x8100;
	s30 =	simm.s32 $0x0  }
0xa: {  	s1 =	sand.u32 $0x1, s1;
	s4 =	sshll.u32 s4, $0x9;
	[smem:$0x7FF] =	sst s3  }
0xb: {  	s6 =	sadd.s32 $0x84400, s0;
	s5 =	sshll.u32 s1, $0x8;
	s1 =	ssub.s32 $0x2, s1  }
0xc: {  	_ =	strace $0x8000004A;
	s4 =	sor.u32 s5, s4;
	s7 =	sshrl.u32 s1, $0x1  }
0xd: {  	s5 =	sshrl.u32 s4, $0x3;
	s1 =	ssub.s32 s1, s7;
	s4 =	sshll.u32 s4, $0x5  }
0xe: {  	s5 =	sadd.s32 s5, s0;
	s0 =	sadd.s32 $0xC4400, s0;
	s25 =	sadd.s32 s6, s4  }
0xf: {  	s26 =	sor.u32 $0x1000, s4;
	s5 =	sadd.s32 $0x2000, s5;
	[dreg:$0x4] =	wrdreg s25  }
0x10: {  	v2 =	vlaneseq.u32;
	s9 =	smax.u32 s1, $0x1;
	s4 =	sadd.s32 s0, s4;
	[dreg:$0x3] =	wrdreg s5  }
0x11: {  	vm0 =	vmmov $0xffff;
	v1 =	vshrl.u32 v2, $0x3;
	s31 =	sadd.s32 s6, s26;
	s8 =	sadd.s32 s0, s26;
	[dreg:$0x5] =	wrdreg s4  }
0x12: {  	v0 =	vand.u32 $0x7, v2;
	v2 =	vor.u32 $0x8, v2;
	v1 =	vmul.u32 $0x8, v1;
	s25 =	simm.s32 $0x7100;
	s26 =	simm.s32 $0x7900;
	[dreg:$0x6] =	wrdreg s31  }
.LBB2_1:
0x13: {  	s0 =	rddreg [dreg:$0x3]  }
0x14: {  	[tilespmem:s3], [sflag:$0x2] =	stream.linear.gather [hbm4b:s0+s3], $0x100, $0x38;
	[tilespmem:$0x10100] =	vst v63  }
0x15: {  	_ =	swait.ge [sflag:s10], $0x100  }
0x16: {  	[sflag:s10] =	ssyncset.done $0x0  }
0x17: {  	[sflag:s10] =	ssyncadd.s32 $0xFFFFFF00  }
0x18: {  	v3 =	vld [tilespmem:$0x0];
	_ =	sdelay $0x4  }
0x19: {  	v4 =	vshll.u32 v3, $0x1  }
0x1a: {  	v3 =	vand.u32 $0x7, v3;
	v4 =	vand.u32 $0xFFFFFFF0, v4  }
0x1b: {  	v3 =	vor.u32 v3, v4  }
0x1c: {  	v4 =	vperm.xlane v3, v0;
	_ =	sdelay $0x1  }
0x1d: {  	v3 =	vperm.xlane v3, v2;
	v4 =	vadd.s32 v1, v4;
	_ =	sdelay $0x1  }
0x1e: {  	v3 =	vadd.s32 v1, v3;
	_ =	sdelay $0x2  }
0x1f: {  	[tilespmem:s11], [sflag:$0x1] =	stream.indirect_vreg.gather [hbm4b:s2+s3], $0x80, v4, vm0, $0xb8;
	[tilespmem:$0x10100] =	vst v63  }
0x20: {  	s7 =	simm.s32 $0x900  }
0x21: {  	[tilespmem:s7], [sflag:$0x1] =	stream.indirect_vreg.gather [hbm4b:s2+s3], $0x80, v3, vm0, $0xb8;
	[tilespmem:$0x10100] =	vst v63  }
0x22: {  	v3 =	vld [tilespmem:$0x10];
	_ =	sdelay $0x4  }
0x23: {  	v57 =	vshll.u32 v3, $0x1  }
0x24: {  	v3 =	vand.u32 $0x7, v3;
	v4 =	vand.u32 $0xFFFFFFF0, v57  }
0x25: {  	v3 =	vor.u32 v3, v4  }
0x26: {  	v4 =	vperm.xlane v3, v0;
	_ =	sdelay $0x1  }
0x27: {  	v3 =	vperm.xlane v3, v2;
	v4 =	vadd.s32 v1, v4;
	_ =	sdelay $0x1  }
0x28: {  	v3 =	vadd.s32 v1, v3;
	_ =	sdelay $0x2  }
0x29: {  	[tilespmem:s13], [sflag:$0x1] =	stream.indirect_vreg.gather [hbm4b:s2+s3], $0x80, v4, vm0, $0xb8;
	[tilespmem:$0x10100] =	vst v63  }
0x2a: {  	_ = 	snop  }
0x2b: {  	[tilespmem:s14], [sflag:$0x1] =	stream.indirect_vreg.gather [hbm4b:s2+s3], $0x80, v3, vm0, $0xb8;
	[tilespmem:$0x10100] =	vst v63  }
0x2c: {  	v3 =	vld [tilespmem:$0x20];
	_ =	sdelay $0x4  }
0x2d: {  	v58 =	vshll.u32 v3, $0x1  }
0x2e: {  	v3 =	vand.u32 $0x7, v3;
	v4 =	vand.u32 $0xFFFFFFF0, v58  }
0x2f: {  	v3 =	vor.u32 v3, v4  }
0x30: {  	v4 =	vperm.xlane v3, v0;
	_ =	sdelay $0x1  }
0x31: {  	v3 =	vperm.xlane v3, v2;
	v4 =	vadd.s32 v1, v4;
	_ =	sdelay $0x1  }
0x32: {  	v3 =	vadd.s32 v1, v3;
	_ =	sdelay $0x2  }
0x33: {  	[tilespmem:s15], [sflag:$0x1] =	stream.indirect_vreg.gather [hbm4b:s2+s3], $0x80, v4, vm0, $0xb8;
	[tilespmem:$0x10100] =	vst v63  }
0x34: {  	_ = 	snop  }
0x35: {  	[tilespmem:s16], [sflag:$0x1] =	stream.indirect_vreg.gather [hbm4b:s2+s3], $0x80, v3, vm0, $0xb8;
	[tilespmem:$0x10100] =	vst v63  }
0x36: {  	v3 =	vld [tilespmem:$0x30];
	_ =	sdelay $0x4  }
0x37: {  	v59 =	vshll.u32 v3, $0x1  }
0x38: {  	v3 =	vand.u32 $0x7, v3;
	v4 =	vand.u32 $0xFFFFFFF0, v59  }
0x39: {  	v3 =	vor.u32 v3, v4  }
0x3a: {  	v4 =	vperm.xlane v3, v0;
	_ =	sdelay $0x1  }
0x3b: {  	v3 =	vperm.xlane v3, v2;
	v4 =	vadd.s32 v1, v4;
	_ =	sdelay $0x1  }
0x3c: {  	v3 =	vadd.s32 v1, v3;
	_ =	sdelay $0x2  }
0x3d: {  	[tilespmem:s17], [sflag:$0x1] =	stream.indirect_vreg.gather [hbm4b:s2+s3], $0x80, v4, vm0, $0xb8;
	[tilespmem:$0x10100] =	vst v63  }
0x3e: {  	_ = 	snop  }
0x3f: {  	[tilespmem:s18], [sflag:$0x1] =	stream.indirect_vreg.gather [hbm4b:s2+s3], $0x80, v3, vm0, $0xb8;
	[tilespmem:$0x10100] =	vst v63  }
0x40: {  	v3 =	vld [tilespmem:$0x40];
	_ =	sdelay $0x4  }
0x41: {  	v60 =	vshll.u32 v3, $0x1  }
0x42: {  	v3 =	vand.u32 $0x7, v3;
	v4 =	vand.u32 $0xFFFFFFF0, v60  }
0x43: {  	v3 =	vor.u32 v3, v4  }
0x44: {  	v4 =	vperm.xlane v3, v0;
	_ =	sdelay $0x1  }
0x45: {  	v3 =	vperm.xlane v3, v2;
	v4 =	vadd.s32 v1, v4;
	_ =	sdelay $0x1  }
0x46: {  	v3 =	vadd.s32 v1, v3;
	_ =	sdelay $0x2  }
0x47: {  	[tilespmem:s19], [sflag:$0x1] =	stream.indirect_vreg.gather [hbm4b:s2+s3], $0x80, v4, vm0, $0xb8;
	[tilespmem:$0x10100] =	vst v63  }
0x48: {  	_ = 	snop  }
0x49: {  	[tilespmem:s20], [sflag:$0x1] =	stream.indirect_vreg.gather [hbm4b:s2+s3], $0x80, v3, vm0, $0xb8;
	[tilespmem:$0x10100] =	vst v63  }
0x4a: {  	v3 =	vld [tilespmem:$0x50];
	_ =	sdelay $0x4  }
0x4b: {  	v61 =	vshll.u32 v3, $0x1  }
0x4c: {  	v3 =	vand.u32 $0x7, v3;
	v4 =	vand.u32 $0xFFFFFFF0, v61  }
0x4d: {  	v3 =	vor.u32 v3, v4  }
0x4e: {  	v4 =	vperm.xlane v3, v0;
	_ =	sdelay $0x1  }
0x4f: {  	v3 =	vperm.xlane v3, v2;
	v4 =	vadd.s32 v1, v4;
	_ =	sdelay $0x1  }
0x50: {  	v3 =	vadd.s32 v1, v3;
	_ =	sdelay $0x2  }
0x51: {  	[tilespmem:s21], [sflag:$0x1] =	stream.indirect_vreg.gather [hbm4b:s2+s3], $0x80, v4, vm0, $0xb8;
	[tilespmem:$0x10100] =	vst v63  }
0x52: {  	_ = 	snop  }
0x53: {  	[tilespmem:s22], [sflag:$0x1] =	stream.indirect_vreg.gather [hbm4b:s2+s3], $0x80, v3, vm0, $0xb8;
	[tilespmem:$0x10100] =	vst v63  }
0x54: {  	v3 =	vld [tilespmem:$0x60];
	_ =	sdelay $0x4  }
0x55: {  	v62 =	vshll.u32 v3, $0x1  }
0x56: {  	v3 =	vand.u32 $0x7, v3;
	v4 =	vand.u32 $0xFFFFFFF0, v62  }
0x57: {  	v3 =	vor.u32 v3, v4  }
0x58: {  	v4 =	vperm.xlane v3, v0;
	_ =	sdelay $0x1  }
0x59: {  	v3 =	vperm.xlane v3, v2;
	v4 =	vadd.s32 v1, v4;
	_ =	sdelay $0x1  }
0x5a: {  	v3 =	vadd.s32 v1, v3;
	_ =	sdelay $0x2  }
0x5b: {  	[tilespmem:s23], [sflag:$0x1] =	stream.indirect_vreg.gather [hbm4b:s2+s3], $0x80, v4, vm0, $0xb8;
	[tilespmem:$0x10100] =	vst v63  }
0x5c: {  	_ = 	snop  }
0x5d: {  	[tilespmem:s24], [sflag:$0x1] =	stream.indirect_vreg.gather [hbm4b:s2+s3], $0x80, v3, vm0, $0xb8;
	[tilespmem:$0x10100] =	vst v63  }
0x5e: {  	v3 =	vld [tilespmem:$0x70];
	_ =	sdelay $0x4  }
0x5f: {  	v63 =	vshll.u32 v3, $0x1  }
0x60: {  	v3 =	vand.u32 $0x7, v3;
	v4 =	vand.u32 $0xFFFFFFF0, v63  }
0x61: {  	v3 =	vor.u32 v3, v4  }
0x62: {  	v4 =	vperm.xlane v3, v0;
	_ =	sdelay $0x1  }
0x63: {  	v3 =	vperm.xlane v3, v2;
	v4 =	vadd.s32 v1, v4;
	_ =	sdelay $0x1  }
0x64: {  	v3 =	vadd.s32 v1, v3;
	_ =	sdelay $0x2  }
0x65: {  	[tilespmem:s25], [sflag:$0x1] =	stream.indirect_vreg.gather [hbm4b:s2+s3], $0x80, v4, vm0, $0xb8;
	[tilespmem:$0x10100] =	vst v63  }
0x66: {  	_ = 	snop  }
0x67: {  	[tilespmem:s26], [sflag:$0x1] =	stream.indirect_vreg.gather [hbm4b:s2+s3], $0x80, v3, vm0, $0xb8;
	[tilespmem:$0x10100] =	vst v63  }
0x68: {  	_ =	swait.ge [sflag:s28], $0x8000  }
0x69: {  	[sflag:s28] =	ssyncset.done $0x0  }
0x6a: {  	s12 =	rddreg [dreg:$0x4];
	[sflag:s28] =	ssyncadd.s32 $0xFFFF8000  }
0x6b: {  	[tilespmem:s29], [sflag:$0x2] =	stream.linear.gather [hbm4b:s12+s3], $0x8000, $0x38;
	[tilespmem:$0x10100] =	vst v63  }
0x6c: {  	_ =	swait.ge [sflag:s10], $0x8000  }
0x6d: {  	[sflag:s10] =	ssyncset.done $0x0  }
0x6e: {  	s31 =	simm.s32 $0x0;
	[sflag:s10] =	ssyncadd.s32 $0xFFFF8000  }
.LBB2_2:
0x6f: {  	s0 =	sshll.u32 s31, $0x8;
	s1 =	sshll.u32 s31, $0x7  }
0x70: {  	s4 =	simm.s32 $0x0;
	s0 =	sand.u32 $0x7800, s0;
	s1 =	sand.u32 $0x380, s1  }
0x71: {  	s12 =	sand.u32 $0x400, s4;
	s0 =	sor.u32 s0, s1  }
0x72: {  	s4 =	sand.u32 $0x70, s4;
	s1 =	sor.u32 s12, s0  }
0x73: {  	s1 =	sor.u32 s4, s1  }
0x74: {  	v3 =	vld [tilespmem:s1+$0x8100]  }
0x75: {  	v4 =	vld [tilespmem:s1+$0x100];
	_ =	sdelay $0x4  }
0x76: {  	s4 =	simm.s32 $0x80;
	v4 =	vsub.f32 v4, v3  }
0x77: {  	s5 =	simm.s32 $0x10;
	s7 =	sand.u32 $0x400, s4  }
0x78: {  	s6 =	sand.u32 $0x70, s5;
	s5 =	simm.s32 $0x20;
	s12 =	sor.u32 s7, s0;
	v3 =	vadd.f32 v4, v3  }
.LBB2_3:
0x79: {  	p0 =	sne.s32 s5, $0xF0;
	s6 =	sor.u32 s6, s12  }
0x7a: {  	v4 =	vld [tilespmem:s6+$0x8100];
	[tilespmem:s1+$0x100] =	vst v3;
	s1 =	smov.u32 s6  }
0x7b: {  	v3 =	vld [tilespmem:s1+$0x100];
	_ =	sdelay $0x2  }
.Ltmp0:
0x7c: {  	(pc) =	sbr.rel @p0 .LBB2_3-.Ltmp0, $4  }
0x7d: {  	_ = 	snop  }
0x7e: {  	s4 =	sadd.s32 $0x80, s4;
	v3 =	vsub.f32 v3, v4  }
0x7f: {  	s7 =	sand.u32 $0x400, s4  }
0x80: {  	s6 =	sand.u32 $0x70, s5;
	s5 =	sadd.s32 $0x10, s5;
	s12 =	sor.u32 s7, s0;
	v3 =	vadd.f32 v3, v4  }
0x81: {  	s0 =	sor.u32 s6, s12  }
0x82: {  	v4 =	vld [tilespmem:s0+$0x8100];
	[tilespmem:s1+$0x100] =	vst v3  }
0x83: {  	v3 =	vld [tilespmem:s0+$0x100];
	_ =	sdelay $0x2  }
0x84: {  	s31 =	sadd.s32 $0x1, s31  }
0x85: {  	p0 =	sne.s32 s31, $0x80  }
.Ltmp1:
0x86: {  	v3 =	vsub.f32 v3, v4;
	(pc) =	sbr.rel @p0 .LBB2_2-.Ltmp1, $3  }
0x87: {  	_ = 	snop  }
0x88: {  	v3 =	vadd.f32 v3, v4;
	_ =	sdelay $0x1  }
0x89: {  	[tilespmem:s0+$0x100] =	vst v3  }
0x8a: {  	s31 =	simm.s32 $0x0;
	s0 =	rddreg [dreg:$0x5]  }
0x8b: {  	[hbm4b:s0+s31] =	stream.linear.scatter [tilespmem:s11], [sflag:$0x2], $0x8000, $0x38;
	[tilespmem:$0x10100] =	vst v63  }
0x8c: {  	_ =	swait.ge [sflag:s10], $0x8000  }
0x8d: {  	[sflag:s10] =	ssyncset.done $0x0  }
0x8e: {  	[sflag:s10] =	ssyncadd.s32 $0xFFFF8000  }
0x8f: {  	v3 =	vld [tilespmem:$0x80];
	_ =	sdelay $0x4  }
0x90: {  	v4 =	vshll.u32 v3, $0x1  }
0x91: {  	v3 =	vand.u32 $0x7, v3;
	v4 =	vand.u32 $0xFFFFFFF0, v4  }
0x92: {  	v3 =	vor.u32 v3, v4  }
0x93: {  	v4 =	vperm.xlane v3, v0;
	_ =	sdelay $0x1  }
0x94: {  	v3 =	vperm.xlane v3, v2;
	v4 =	vadd.s32 v1, v4;
	_ =	sdelay $0x1  }
0x95: {  	v3 =	vadd.s32 v1, v3;
	_ =	sdelay $0x2  }
0x96: {  	[tilespmem:s11], [sflag:$0x1] =	stream.indirect_vreg.gather [hbm4b:s2+s31], $0x80, v4, vm0, $0xb8;
	[tilespmem:$0x10100] =	vst v63  }
0x97: {  	s7 =	simm.s32 $0x900  }
0x98: {  	[tilespmem:s7], [sflag:$0x1] =	stream.indirect_vreg.gather [hbm4b:s2+s31], $0x80, v3, vm0, $0xb8;
	[tilespmem:$0x10100] =	vst v63  }
0x99: {  	v3 =	vld [tilespmem:$0x90];
	_ =	sdelay $0x4  }
0x9a: {  	v57 =	vshll.u32 v3, $0x1  }
0x9b: {  	v3 =	vand.u32 $0x7, v3;
	v4 =	vand.u32 $0xFFFFFFF0, v57  }
0x9c: {  	v3 =	vor.u32 v3, v4  }
0x9d: {  	v4 =	vperm.xlane v3, v0;
	_ =	sdelay $0x1  }
0x9e: {  	v3 =	vperm.xlane v3, v2;
	v4 =	vadd.s32 v1, v4;
	_ =	sdelay $0x1  }
0x9f: {  	v3 =	vadd.s32 v1, v3;
	_ =	sdelay $0x2  }
0xa0: {  	[tilespmem:s13], [sflag:$0x1] =	stream.indirect_vreg.gather [hbm4b:s2+s31], $0x80, v4, vm0, $0xb8;
	[tilespmem:$0x10100] =	vst v63  }
0xa1: {  	_ = 	snop  }
0xa2: {  	[tilespmem:s14], [sflag:$0x1] =	stream.indirect_vreg.gather [hbm4b:s2+s31], $0x80, v3, vm0, $0xb8;
	[tilespmem:$0x10100] =	vst v63  }
0xa3: {  	v3 =	vld [tilespmem:$0xA0];
	_ =	sdelay $0x4  }
0xa4: {  	v58 =	vshll.u32 v3, $0x1  }
0xa5: {  	v3 =	vand.u32 $0x7, v3;
	v4 =	vand.u32 $0xFFFFFFF0, v58  }
0xa6: {  	v3 =	vor.u32 v3, v4  }
0xa7: {  	v4 =	vperm.xlane v3, v0;
	_ =	sdelay $0x1  }
0xa8: {  	v3 =	vperm.xlane v3, v2;
	v4 =	vadd.s32 v1, v4;
	_ =	sdelay $0x1  }
0xa9: {  	v3 =	vadd.s32 v1, v3;
	_ =	sdelay $0x2  }
0xaa: {  	[tilespmem:s15], [sflag:$0x1] =	stream.indirect_vreg.gather [hbm4b:s2+s31], $0x80, v4, vm0, $0xb8;
	[tilespmem:$0x10100] =	vst v63  }
0xab: {  	_ = 	snop  }
0xac: {  	[tilespmem:s16], [sflag:$0x1] =	stream.indirect_vreg.gather [hbm4b:s2+s31], $0x80, v3, vm0, $0xb8;
	[tilespmem:$0x10100] =	vst v63  }
0xad: {  	v3 =	vld [tilespmem:$0xB0];
	_ =	sdelay $0x4  }
0xae: {  	v59 =	vshll.u32 v3, $0x1  }
0xaf: {  	v3 =	vand.u32 $0x7, v3;
	v4 =	vand.u32 $0xFFFFFFF0, v59  }
0xb0: {  	v3 =	vor.u32 v3, v4  }
0xb1: {  	v4 =	vperm.xlane v3, v0;
	_ =	sdelay $0x1  }
0xb2: {  	v3 =	vperm.xlane v3, v2;
	v4 =	vadd.s32 v1, v4;
	_ =	sdelay $0x1  }
0xb3: {  	v3 =	vadd.s32 v1, v3;
	_ =	sdelay $0x2  }
0xb4: {  	[tilespmem:s17], [sflag:$0x1] =	stream.indirect_vreg.gather [hbm4b:s2+s31], $0x80, v4, vm0, $0xb8;
	[tilespmem:$0x10100] =	vst v63  }
0xb5: {  	_ = 	snop  }
0xb6: {  	[tilespmem:s18], [sflag:$0x1] =	stream.indirect_vreg.gather [hbm4b:s2+s31], $0x80, v3, vm0, $0xb8;
	[tilespmem:$0x10100] =	vst v63  }
0xb7: {  	v3 =	vld [tilespmem:$0xC0];
	_ =	sdelay $0x4  }
0xb8: {  	v60 =	vshll.u32 v3, $0x1  }
0xb9: {  	v3 =	vand.u32 $0x7, v3;
	v4 =	vand.u32 $0xFFFFFFF0, v60  }
0xba: {  	v3 =	vor.u32 v3, v4  }
0xbb: {  	v4 =	vperm.xlane v3, v0;
	_ =	sdelay $0x1  }
0xbc: {  	v3 =	vperm.xlane v3, v2;
	v4 =	vadd.s32 v1, v4;
	_ =	sdelay $0x1  }
0xbd: {  	v3 =	vadd.s32 v1, v3;
	_ =	sdelay $0x2  }
0xbe: {  	[tilespmem:s19], [sflag:$0x1] =	stream.indirect_vreg.gather [hbm4b:s2+s31], $0x80, v4, vm0, $0xb8;
	[tilespmem:$0x10100] =	vst v63  }
0xbf: {  	_ = 	snop  }
0xc0: {  	[tilespmem:s20], [sflag:$0x1] =	stream.indirect_vreg.gather [hbm4b:s2+s31], $0x80, v3, vm0, $0xb8;
	[tilespmem:$0x10100] =	vst v63  }
0xc1: {  	v3 =	vld [tilespmem:$0xD0];
	_ =	sdelay $0x4  }
0xc2: {  	v61 =	vshll.u32 v3, $0x1  }
0xc3: {  	v3 =	vand.u32 $0x7, v3;
	v4 =	vand.u32 $0xFFFFFFF0, v61  }
0xc4: {  	v3 =	vor.u32 v3, v4  }
0xc5: {  	v4 =	vperm.xlane v3, v0;
	_ =	sdelay $0x1  }
0xc6: {  	v3 =	vperm.xlane v3, v2;
	v4 =	vadd.s32 v1, v4;
	_ =	sdelay $0x1  }
0xc7: {  	v3 =	vadd.s32 v1, v3;
	_ =	sdelay $0x2  }
0xc8: {  	[tilespmem:s21], [sflag:$0x1] =	stream.indirect_vreg.gather [hbm4b:s2+s31], $0x80, v4, vm0, $0xb8;
	[tilespmem:$0x10100] =	vst v63  }
0xc9: {  	_ = 	snop  }
0xca: {  	[tilespmem:s22], [sflag:$0x1] =	stream.indirect_vreg.gather [hbm4b:s2+s31], $0x80, v3, vm0, $0xb8;
	[tilespmem:$0x10100] =	vst v63  }
0xcb: {  	v3 =	vld [tilespmem:$0xE0];
	_ =	sdelay $0x4  }
0xcc: {  	v62 =	vshll.u32 v3, $0x1  }
0xcd: {  	v3 =	vand.u32 $0x7, v3;
	v4 =	vand.u32 $0xFFFFFFF0, v62  }
0xce: {  	v3 =	vor.u32 v3, v4  }
0xcf: {  	v4 =	vperm.xlane v3, v0;
	_ =	sdelay $0x1  }
0xd0: {  	v3 =	vperm.xlane v3, v2;
	v4 =	vadd.s32 v1, v4;
	_ =	sdelay $0x1  }
0xd1: {  	v3 =	vadd.s32 v1, v3;
	_ =	sdelay $0x2  }
0xd2: {  	[tilespmem:s23], [sflag:$0x1] =	stream.indirect_vreg.gather [hbm4b:s2+s31], $0x80, v4, vm0, $0xb8;
	[tilespmem:$0x10100] =	vst v63  }
0xd3: {  	_ = 	snop  }
0xd4: {  	[tilespmem:s24], [sflag:$0x1] =	stream.indirect_vreg.gather [hbm4b:s2+s31], $0x80, v3, vm0, $0xb8;
	[tilespmem:$0x10100] =	vst v63  }
0xd5: {  	v3 =	vld [tilespmem:$0xF0];
	_ =	sdelay $0x4  }
0xd6: {  	v63 =	vshll.u32 v3, $0x1  }
0xd7: {  	v3 =	vand.u32 $0x7, v3;
	v4 =	vand.u32 $0xFFFFFFF0, v63  }
0xd8: {  	v3 =	vor.u32 v3, v4  }
0xd9: {  	v4 =	vperm.xlane v3, v0;
	_ =	sdelay $0x1  }
0xda: {  	v3 =	vperm.xlane v3, v2;
	v4 =	vadd.s32 v1, v4;
	_ =	sdelay $0x1  }
0xdb: {  	v3 =	vadd.s32 v1, v3;
	_ =	sdelay $0x2  }
0xdc: {  	[tilespmem:s25], [sflag:$0x1] =	stream.indirect_vreg.gather [hbm4b:s2+s31], $0x80, v4, vm0, $0xb8;
	[tilespmem:$0x10100] =	vst v63  }
0xdd: {  	_ = 	snop  }
0xde: {  	[tilespmem:s26], [sflag:$0x1] =	stream.indirect_vreg.gather [hbm4b:s2+s31], $0x80, v3, vm0, $0xb8;
	[tilespmem:$0x10100] =	vst v63  }
0xdf: {  	_ =	swait.ge [sflag:s28], $0x8000  }
0xe0: {  	[sflag:s28] =	ssyncset.done $0x0  }
0xe1: {  	s12 =	rddreg [dreg:$0x6];
	[sflag:s28] =	ssyncadd.s32 $0xFFFF8000  }
0xe2: {  	[tilespmem:s29], [sflag:$0x2] =	stream.linear.gather [hbm4b:s12+s31], $0x8000, $0x38;
	[tilespmem:$0x10100] =	vst v63  }
0xe3: {  	_ =	swait.ge [sflag:s10], $0x8000  }
0xe4: {  	[sflag:s10] =	ssyncset.done $0x0  }
0xe5: {  	s0 =	simm.s32 $0x0;
	[sflag:s10] =	ssyncadd.s32 $0xFFFF8000  }
.LBB2_6:
0xe6: {  	s1 =	sshll.u32 s0, $0x8;
	s4 =	sshll.u32 s0, $0x7  }
0xe7: {  	s1 =	sand.u32 $0x7800, s1;
	s4 =	sand.u32 $0x380, s4  }
0xe8: {  	s12 =	sand.u32 $0x400, s31;
	s1 =	sor.u32 s1, s4  }
0xe9: {  	s5 =	sand.u32 $0x70, s31;
	s4 =	sor.u32 s12, s1  }
0xea: {  	s4 =	sor.u32 s5, s4  }
0xeb: {  	v3 =	vld [tilespmem:s4+$0x8100]  }
0xec: {  	v4 =	vld [tilespmem:s4+$0x100];
	_ =	sdelay $0x4  }
0xed: {  	s5 =	simm.s32 $0x80;
	v4 =	vsub.f32 v4, v3  }
0xee: {  	s6 =	simm.s32 $0x10;
	s7 =	sand.u32 $0x400, s5  }
0xef: {  	s12 =	sand.u32 $0x70, s6;
	s6 =	simm.s32 $0x20;
	s7 =	sor.u32 s7, s1;
	v3 =	vadd.f32 v4, v3  }
.LBB2_7:
0xf0: {  	p0 =	sne.s32 s6, $0xF0;
	s7 =	sor.u32 s12, s7  }
0xf1: {  	v4 =	vld [tilespmem:s7+$0x8100];
	[tilespmem:s4+$0x100] =	vst v3;
	s4 =	smov.u32 s7  }
0xf2: {  	v3 =	vld [tilespmem:s4+$0x100];
	_ =	sdelay $0x2  }
.Ltmp2:
0xf3: {  	(pc) =	sbr.rel @p0 .LBB2_7-.Ltmp2, $4  }
0xf4: {  	_ = 	snop  }
0xf5: {  	s5 =	sadd.s32 $0x80, s5;
	v3 =	vsub.f32 v3, v4  }
0xf6: {  	s7 =	sand.u32 $0x400, s5  }
0xf7: {  	s12 =	sand.u32 $0x70, s6;
	s6 =	sadd.s32 $0x10, s6;
	s7 =	sor.u32 s7, s1;
	v3 =	vadd.f32 v3, v4  }
0xf8: {  	s1 =	sor.u32 s12, s7  }
0xf9: {  	v4 =	vld [tilespmem:s1+$0x8100];
	[tilespmem:s4+$0x100] =	vst v3  }
0xfa: {  	v3 =	vld [tilespmem:s1+$0x100];
	_ =	sdelay $0x2  }
0xfb: {  	s0 =	sadd.s32 $0x1, s0  }
0xfc: {  	p0 =	sne.s32 s0, $0x80  }
.Ltmp3:
0xfd: {  	v3 =	vsub.f32 v3, v4;
	(pc) =	sbr.rel @p0 .LBB2_6-.Ltmp3, $3  }
0xfe: {  	_ = 	snop  }
0xff: {  	v3 =	vadd.f32 v3, v4;
	_ =	sdelay $0x1  }
0x100: {  	[tilespmem:s1+$0x100] =	vst v3  }
0x101: {  	s30 =	sadd.s32 $0x1, s30  }
0x102: {  	p0 =	sne.s32 s30, s9  }
.Ltmp4:
0x103: {  	_ = 	snop;
	(pc) =	sbr.rel @p0 .LBB2_1-.Ltmp4, $4  }
0x104: {  	[hbm4b:s8+s3] =	stream.linear.scatter [tilespmem:s11], [sflag:$0x2], $0x8000, $0x38;
	[tilespmem:$0x10100] =	vst v63  }
0x105: {  	_ =	swait.ge [sflag:s10], $0x8000  }
0x106: {  	[sflag:s10] =	ssyncset.done $0x0  }
0x107: {  	[sflag:s10] =	ssyncadd.s32 $0xFFFF8000  }
0x108: {  	_ =	sfence.sel $0x180000  }
0x109: {  	[bflag:$0x0] =	sbarrier.arrive $0xFFFF  }
0x10a: {  	_ =	strace $0x9000004A  }
0x10b: {  	s0 =	stileid.u32;
	[bflag:$0x2] =	sbarrier.arrive $0xFFFF  }
0x10c: {  	p0 =	sne.s32 s0, $0x0;
	s0 =	rddreg [dreg:$0x2]  }
0x10d: {  	s0 =	sadd.s32 @!p0 $0x100000, s0  }
0x10e: {  	[sflag:s0] =	ssyncadd.tile.s32 @!p0 $0x1;
	_ =	shalt  }
.Lfunc_end2:
_tile_overlayer_lowered:
.L_overlay_start_2:
0x10f: {  	(tag) =	ssettag $0x2  }
0x110: {  	s0 =	rddreg [dreg:$0x0];
	s2 =	stileid.u32  }
0x111: {  	s1 =	rddreg [dreg:$0x1];
	p0 =	sne.s32 s2, $0x0  }
0x112: {  	s3 =	rddreg [dreg:$0x2];
	[bflag:$0x3] =	sbarrier.arrive $0xFFFF;
	s2 =	simm.s32 @!p0 $0x1C02  }
0x113: {  	[timem:s3], [sflag:s2] =	dma.local @!p0 [hbm:s0], s1  }
0x114: {  	s0 =	simm.s32 @!p0 $0x2  }
0x115: {  	_ =	swait.ge @!p0 [sflag:s0], s1  }
0x116: {  	s1 =	ssub.s32 @!p0 $0x0, s1;
	[sflag:s0] =	ssyncset.done @!p0 $0x0  }
0x117: {  	[sflag:s0] =	ssyncadd.s32 @!p0 s1  }
0x118: {  	[bflag:$0x3] =	sbarrier.arrive $0xFFFF  }
0x119: {  	_ =	shalt  }

// kernel: kernel.9.cloned.1.call-start
scs
__scs_entry_jumppad:
0x0: {  	(pc) =	sbr.rel $0x88, $3  }
0x1: {  	(tag) =	ssettag $0x0;
	lr =	simm.s32 $0x1  }
0x2: {  	[smem:$0x3F9F] =	sst lr;
	_ =	strace $0xD0000000  }
0x3: {  	_ = 	snop  }
0x4: {  	_ = 	snop  }
0x5: {  	_ = 	snop  }
0x6: {  	_ = 	snop  }
0x7: {  	_ = 	snop  }
__scs_overlays_trampoline_lowered:
0x8: {  	[smem:$0x3FAE] =	sst s0  }
0x9: {  	[smem:$0x3FAF] =	sst s1  }
0xa: {  	[smem:$0x3FB0] =	sst s2  }
0xb: {  	[smem:$0x3FB1] =	sst s3  }
0xc: {  	[smem:$0x3FB2] =	sst s4  }
0xd: {  	[smem:$0x3FB3] =	sst s5  }
0xe: {  	[smem:$0x3FB4] =	sst s6  }
0xf: {  	[smem:$0x3FB5] =	sst s7  }
0x10: {  	[smem:$0x3FB6] =	sst s8  }
0x11: {  	[smem:$0x3FB7] =	sst s9;
	s0 =	simm.s32 @!p0 $0x0  }
0x12: {  	s1 =	sld [smem:$0x3F9D];
	s0 =	simm.s32 @p0 $0x1  }
0x13: {  	[smem:$0x3FB8] =	sst s0;
	s0 =	simm.s32 @!p1 $0x0  }
0x14: {  	s2 =	sld [smem:$0x3F9C];
	s0 =	simm.s32 @p1 $0x1  }
0x15: {  	[smem:$0x3FB9] =	sst s0;
	s0 =	simm.s32 @!p2 $0x0  }
0x16: {  	s3 =	sld [smem:$0x3FDB];
	s0 =	simm.s32 @p2 $0x1  }
0x17: {  	s4 =	simm.s32 $0x1BF5;
	[smem:$0x3FBB] =	sst s0  }
0x18: {  	s0 =	sld [smem:$0x3F9E];
	_ =	swait.ge [sflag:s4], $0x0  }
0x19: {  	s7 =	sld [smem:$0x3F9F]  }
0x1a: {  	s8 =	sadd.s32 $0xFFFFE003, lr  }
0x1b: {  	s9 =	sadd.s32 $0xFFFFFEF7, lr;
	s5 =	simm.s32 $0xFFFFFFFF;
	p2 =	slt.u32 s8, $0xFFFFF086  }
0x1c: {  	p1 =	slt.u32 s9, $0xF7A;
	s5 =	simm.s32 @!p2 $0x0  }
0x1d: {  	s5 =	simm.s32 @p1 $0x1;
	p0 =	seq.s32 s7, s2  }
0x1e: {  	s7 =	smul.u32 @!p0 $0xF7A, s2;
	p2 =	seq.s32 @!p0 s5, $0x0  }
0x1f: {  	s9 =	smul.u32 $0xF7A, s1;
	s8 =	simm.s32 @!p0 $0x1BF5;
	p2 =	por !p2, p0  }
0x20: {  	[sflag:s8] =	ssyncset.s32 @!p0 $0xFFFFF086;
	s6 =	sadd.s32 @!p0 s3, s7;
	s7 =	simm.s32 @!p0 $0x108  }
0x21: {  	s3 =	sadd.s32 s3, s9;
	s6 =	sadd.s32 @!p0 $0x88, s6;
	s7 =	simm.s32 @p2 $0x1082  }
0x22: {  	[simem:s7], [sflag:s8] =	dma.local @!p0 [hbm:s6], $0xF7A  }
0x23: {  	s9 =	sor.u32 $0xD0000000, s2;
	s6 =	simm.s32 $0x108;
	_ =	swait.ge @!p0 [sflag:s8], $0x0  }
0x24: {  	s3 =	sadd.s32 $0x88, s3;
	s6 =	simm.s32 @!p1 $0x1082;
	[sflag:s4] =	ssyncset.s32 $0xFFFFF086  }
0x25: {  	[simem:s6], [sflag:s4] =	dma.local [hbm:s3], $0xF7A  }
0x26: {  	[smem:$0x3F9F] =	sst s1;
	(tag) =	ssettag s2;
	_ =	strace s9  }
0x27: {  	s1 =	sld [smem:$0x3FAF]  }
0x28: {  	s2 =	sld [smem:$0x3FB0]  }
0x29: {  	s4 =	sld [smem:$0x3FB2]  }
0x2a: {  	p0 =	seq.s32 s5, $0x0;
	s5 =	sld [smem:$0x3FB3]  }
0x2b: {  	s6 =	sld [smem:$0x3FB4]  }
0x2c: {  	s7 =	sld [smem:$0x3FB5]  }
0x2d: {  	s3 =	simm.s32 $0x108;
	s8 =	sld [smem:$0x3FB6]  }
0x2e: {  	s3 =	simm.s32 @!p0 $0x1082;
	s9 =	sld [smem:$0x3FB7]  }
0x2f: {  	lr =	sadd.s32 s0, s3;
	s0 =	sld [smem:$0x3FAE]  }
0x30: {  	s3 =	sld [smem:$0x3FB1]  }
0x31: {  	[smem:$0x3FBA] =	sst s10  }
0x32: {  	s10 =	sld [smem:$0x3FB8];
	_ =	sdelay $0x3  }
0x33: {  	p0 =	seq.s32 s10, $0x1;
	s10 =	sld [smem:$0x3FBA];
	_ =	sdelay $0x3  }
0x34: {  	[smem:$0x3FBA] =	sst s10  }
0x35: {  	s10 =	sld [smem:$0x3FB9];
	_ =	sdelay $0x3  }
0x36: {  	p1 =	seq.s32 s10, $0x1;
	s10 =	sld [smem:$0x3FBA];
	_ =	sdelay $0x3  }
0x37: {  	[smem:$0x3FBA] =	sst s10  }
0x38: {  	s10 =	sld [smem:$0x3FBB]  }
0x39: {  	_ = 	snop;
	(pc) =	sbr.ind lr, $3  }
0x3a: {  	_ = 	snop  }
0x3b: {  	_ = 	snop  }
0x3c: {  	p2 =	seq.s32 s10, $0x1;
	s10 =	sld [smem:$0x3FBA]  }
0x3d: {  	_ =	shalt  }
0x3e: {  	_ =	shalt  }
0x3f: {  	_ =	shalt  }
0x40: {  	_ =	shalt  }
0x41: {  	_ =	shalt  }
0x42: {  	_ =	shalt  }
0x43: {  	_ =	shalt  }
0x44: {  	_ =	shalt  }
0x45: {  	_ =	shalt  }
0x46: {  	_ =	shalt  }
0x47: {  	_ =	shalt  }
0x48: {  	_ =	shalt  }
0x49: {  	_ =	shalt  }
0x4a: {  	_ =	shalt  }
0x4b: {  	_ =	shalt  }
0x4c: {  	_ =	shalt  }
0x4d: {  	_ =	shalt  }
0x4e: {  	_ =	shalt  }
0x4f: {  	_ =	shalt  }
0x50: {  	_ =	shalt  }
0x51: {  	_ =	shalt  }
0x52: {  	_ =	shalt  }
0x53: {  	_ =	shalt  }
0x54: {  	_ =	shalt  }
0x55: {  	_ =	shalt  }
0x56: {  	_ =	shalt  }
0x57: {  	_ =	shalt  }
0x58: {  	_ =	shalt  }
0x59: {  	_ =	shalt  }
0x5a: {  	_ =	shalt  }
0x5b: {  	_ =	shalt  }
0x5c: {  	_ =	shalt  }
0x5d: {  	_ =	shalt  }
0x5e: {  	_ =	shalt  }
0x5f: {  	_ =	shalt  }
0x60: {  	_ =	shalt  }
0x61: {  	_ =	shalt  }
0x62: {  	_ =	shalt  }
0x63: {  	_ =	shalt  }
0x64: {  	_ =	shalt  }
0x65: {  	_ =	shalt  }
0x66: {  	_ =	shalt  }
0x67: {  	_ =	shalt  }
0x68: {  	_ =	shalt  }
0x69: {  	_ =	shalt  }
0x6a: {  	_ =	shalt  }
0x6b: {  	_ =	shalt  }
0x6c: {  	_ =	shalt  }
0x6d: {  	_ =	shalt  }
0x6e: {  	_ =	shalt  }
0x6f: {  	_ =	shalt  }
0x70: {  	_ =	shalt  }
0x71: {  	_ =	shalt  }
0x72: {  	_ =	shalt  }
0x73: {  	_ =	shalt  }
0x74: {  	_ =	shalt  }
0x75: {  	_ =	shalt  }
0x76: {  	_ =	shalt  }
0x77: {  	_ =	shalt  }
0x78: {  	_ =	shalt  }
0x79: {  	_ =	shalt  }
0x7a: {  	_ =	shalt  }
0x7b: {  	_ =	shalt  }
0x7c: {  	_ =	shalt  }
0x7d: {  	_ =	shalt  }
0x7e: {  	_ =	shalt  }
0x7f: {  	_ =	shalt  }
0x80: {  	_ =	shalt  }
0x81: {  	_ =	shalt  }
0x82: {  	_ =	shalt  }
0x83: {  	_ =	shalt  }
0x84: {  	_ =	shalt  }
0x85: {  	_ =	shalt  }
0x86: {  	_ =	shalt  }
0x87: {  	_ =	shalt  }
.Lfunc_end0:
.L_simem_size_0:
called_computation.1_lowered:
.L_overlay_start_0:
0x88: {  	s2 =	sld [smem:$0x3FD9]  }
0x89: {  	s3 =	sld [smem:$0x3FFE];
	_ =	sdelay $0x1  }
0x8a: {  	s1 =	srdreg.scid  }
0x8b: {  	s0 =	sand.u32 $0x1, s1  }
0x8c: {  	s17 =	sshll.u32 s0, $0xA;
	s2 =	sadd.s32 s3, s2  }
0x8d: {  	s2 =	sadd.s32 s2, s17  }
0x8e: {  	[smem:$0x3FC6] =	sst s2  }
0x8f: {  	_ = 	snop  }
0x90: {  	s2 =	sld [smem:$0x3FD0];
	(tm) =	ssettm $0x1  }
0x91: {  	s18 =	sld [smem:$0x3FFB];
	_ =	sdelay $0x3  }
0x92: {  	_ =	strace s18  }
0x93: {  	s3 =	sld [smem:$0x3FFC];
	_ =	sdelay $0x3  }
0x94: {  	_ =	strace s3  }
0x95: {  	s3 =	sld [smem:$0x3FFD];
	_ =	sdelay $0x3  }
0x96: {  	_ =	strace s3  }
0x97: {  	_ =	strace $0x8FFFFFFF  }
0x98: {  	s19 =	sld [smem:$0x3FDB];
	_ =	sdelay $0x1  }
0x99: {  	s4 =	simm.s32 $_scs_section_size  }
0x9a: {  	s5 =	simm.s32 $_size__tile_overlayer_lowered;
	s6 =	simm.s32 $_tile_overlayer_lowered  }
0x9b: {  	s22 =	simm.s32 $0x1BFF;
	s21 =	sshll.u32 s6, $0x1;
	s3 =	sadd.s32 s4, s19  }
0x9c: {  	s7 =	simm.s32 $0x0;
	s20 =	sshll.u32 s5, $0x1;
	s5 =	sadd.s32 s21, s3  }
0x9d: {  	[timem:s7], [sflag:s22] =	dma.local [hbm:s5], s20  }
0x9e: {  	_ =	swait.ge [sflag:s22], s20  }
0x9f: {  	s4 =	ssub.s32 $0x0, s20;
	[sflag:s22] =	ssyncset.done $0x0  }
0xa0: {  	[sflag:s22] =	ssyncadd.s32 s4;
	_ =	sdelay $0x1  }
0xa1: {  	s23 =	simm.s32 $0x1B8B  }
0xa2: {  	_ =	swait.ge [sflag:s23], $0x1  }
0xa3: {  	[sflag:s23] =	ssyncset.done $0x0  }
0xa4: {  	s25 =	simm.s32 $0x1B8E;
	s24 =	sld [smem:$0x3FFE];
	[sflag:s23] =	ssyncadd.s32 $0xFFFFFFFF  }
0xa5: {  	s26 =	simm.s32 $execute0_lowered;
	[smem:$0x3FD2] =	sst s25  }
0xa6: {  	s5 =	sshll.u32 s26, $0x1;
	_ =	strace $0x80000046;
	[dreg:$0x1] =	wrdreg $0xFFFFFFFF  }
0xa7: {  	s28 =	simm.s32 $_size_execute0_lowered;
	s3 =	sadd.s32 s3, s5;
	[dreg:$0x0] =	wrdreg $0x0  }
0xa8: {  	s5 =	sshll.u32 s28, $0x1;
	[dreg:$0x2] =	wrdreg s3  }
0xa9: {  	[dreg:$0x3] =	wrdreg s5  }
0xaa: {  	[dreg:$0x4] =	wrdreg $0xC0  }
0xab: {  	_ =	task [dreg:s7], $0x5FFFF  }
0xac: {  	[dreg:$0x1] =	wrdreg $0xFFFFFFFF  }
0xad: {  	[dreg:$0x0] =	wrdreg $0x60  }
0xae: {  	[dreg:$0x2] =	wrdreg s2  }
0xaf: {  	[dreg:$0x3] =	wrdreg s24  }
0xb0: {  	[dreg:$0x4] =	wrdreg $0xA  }
0xb1: {  	_ =	task.clear_ibuf [dreg:s7], $0x5FFFF;
	_ =	strace $0x90000046  }
0xb2: {  	s29 =	simm.s32 $0xA;
	_ =	strace $0x80000048  }
0xb3: {  	_ =	swait.ge [sflag:s29], $0x1  }
0xb4: {  	[sflag:s29] =	ssyncadd.s32 $0xFFFFFFFF  }
0xb5: {  	_ =	strace $0x90000048  }
0xb6: {  	_ =	sfence  }
0xb7: {  	s30 =	sld [smem:$0x0];
	_ =	sdelay $0x2  }
0xb8: {  	s31 =	sshll.u32 s1, $0xD;
	s1 =	sshrl.u32 s1, $0x2  }
0xb9: {  	s3 =	sand.u32 $0x4000, s31;
	s1 =	sadd.s32 s1, s30  }
0xba: {  	s0 =	sor.u32 s3, s0;
	s1 =	sshll.u32 s1, $0x11  }
0xbb: {  	s0 =	sor.u32 s1, s0  }
0xbc: {  	s0 =	sadd.s32 $0x8F2B, s0  }
0xbd: {  	[sflag:s0] =	ssyncadd.remote.s32 $0x1  }
0xbe: {  	_ =	sfence.sel $0xFFFF  }
0xbf: {  	[dreg:$0x0] =	wrdreg $0xFFFFFFFF;
	(pc) =	sbr.abs _section_cstart, $3  }
0xc0: {  	[dreg:$0x1] =	wrdreg $0xFFFFFFFF  }
0xc1: {  	_ =	task.clear_ibuf [dreg:s7], $0x2FFFF;
	_ =	strace $0x9FFFFFFF  }
0xc2: {  	(tm) =	ssettm $0x7FFFFFFF  }
0xc3: {  	_ =	shalt  }
tec
execute0_lowered:
.L_overlay_start_1:
0x0: {  	(tag) =	ssettag $0x1  }
0x1: {  	s2 =	rddreg [dreg:$0x0]  }
0x2: {  	s0 =	rddreg [dreg:$0x1]  }
0x3: {  	s1 =	srdreg.scid;
	s4 =	stileid.u32  }
0x4: {  	s3 =	simm.s32 $0x0;
	s10 =	simm.s32 $0x2;
	s11 =	simm.s32 $0x100  }
0x5: {  	s13 =	simm.s32 $0x1100;
	s14 =	simm.s32 $0x1900;
	s15 =	simm.s32 $0x2100  }
0x6: {  	s16 =	simm.s32 $0x2900;
	s17 =	simm.s32 $0x3100;
	s18 =	simm.s32 $0x3900  }
0x7: {  	s19 =	simm.s32 $0x4100;
	s20 =	simm.s32 $0x4900;
	s21 =	simm.s32 $0x5100  }
0x8: {  	s22 =	simm.s32 $0x5900;
	s23 =	simm.s32 $0x6100;
	s24 =	simm.s32 $0x6900  }
0x9: {  	s28 =	simm.s32 $0x1;
	s29 =	simm.s32 $0x8100;
	s30 =	simm.s32 $0x0  }
0xa: {  	s1 =	sand.u32 $0x1, s1;
	s4 =	sshll.u32 s4, $0x9;
	[smem:$0x7FF] =	sst s3  }
0xb: {  	s6 =	sadd.s32 $0x4000, s0;
	s5 =	sshll.u32 s1, $0x8;
	s1 =	ssub.s32 $0x2, s1  }
0xc: {  	_ =	strace $0x80000047;
	s4 =	sor.u32 s5, s4;
	s7 =	sshrl.u32 s1, $0x1  }
0xd: {  	s5 =	sshrl.u32 s4, $0x3;
	s1 =	ssub.s32 s1, s7;
	s4 =	sshll.u32 s4, $0x5  }
0xe: {  	s5 =	sadd.s32 s5, s0;
	s0 =	sadd.s32 $0x44400, s0;
	s25 =	sadd.s32 s6, s4  }
0xf: {  	s26 =	sor.u32 $0x1000, s4;
	s5 =	sadd.s32 $0x44000, s5;
	[dreg:$0x4] =	wrdreg s25  }
0x10: {  	v2 =	vlaneseq.u32;
	s9 =	smax.u32 s1, $0x1;
	s4 =	sadd.s32 s0, s4;
	[dreg:$0x3] =	wrdreg s5  }
0x11: {  	vm0 =	vmmov $0xffff;
	v1 =	vshrl.u32 v2, $0x3;
	s31 =	sadd.s32 s6, s26;
	s8 =	sadd.s32 s0, s26;
	[dreg:$0x5] =	wrdreg s4  }
0x12: {  	v0 =	vand.u32 $0x7, v2;
	v2 =	vor.u32 $0x8, v2;
	v1 =	vmul.u32 $0x8, v1;
	s25 =	simm.s32 $0x7100;
	s26 =	simm.s32 $0x7900;
	[dreg:$0x6] =	wrdreg s31  }
.LBB2_1:
0x13: {  	s0 =	rddreg [dreg:$0x3]  }
0x14: {  	[tilespmem:s3], [sflag:$0x2] =	stream.linear.gather [hbm4b:s0+s3], $0x100, $0x38;
	[tilespmem:$0x10100] =	vst v63  }
0x15: {  	_ =	swait.ge [sflag:s10], $0x100  }
0x16: {  	[sflag:s10] =	ssyncset.done $0x0  }
0x17: {  	[sflag:s10] =	ssyncadd.s32 $0xFFFFFF00  }
0x18: {  	v3 =	vld [tilespmem:$0x0];
	_ =	sdelay $0x4  }
0x19: {  	v4 =	vshll.u32 v3, $0x1  }
0x1a: {  	v3 =	vand.u32 $0x7, v3;
	v4 =	vand.u32 $0xFFFFFFF0, v4  }
0x1b: {  	v3 =	vor.u32 v3, v4  }
0x1c: {  	v4 =	vperm.xlane v3, v0;
	_ =	sdelay $0x1  }
0x1d: {  	v3 =	vperm.xlane v3, v2;
	v4 =	vadd.s32 v1, v4;
	_ =	sdelay $0x1  }
0x1e: {  	v3 =	vadd.s32 v1, v3;
	_ =	sdelay $0x2  }
0x1f: {  	[tilespmem:s11], [sflag:$0x1] =	stream.indirect_vreg.gather [hbm4b:s2+s3], $0x80, v4, vm0, $0xb8;
	[tilespmem:$0x10100] =	vst v63  }
0x20: {  	s7 =	simm.s32 $0x900  }
0x21: {  	[tilespmem:s7], [sflag:$0x1] =	stream.indirect_vreg.gather [hbm4b:s2+s3], $0x80, v3, vm0, $0xb8;
	[tilespmem:$0x10100] =	vst v63  }
0x22: {  	v3 =	vld [tilespmem:$0x10];
	_ =	sdelay $0x4  }
0x23: {  	v57 =	vshll.u32 v3, $0x1  }
0x24: {  	v3 =	vand.u32 $0x7, v3;
	v4 =	vand.u32 $0xFFFFFFF0, v57  }
0x25: {  	v3 =	vor.u32 v3, v4  }
0x26: {  	v4 =	vperm.xlane v3, v0;
	_ =	sdelay $0x1  }
0x27: {  	v3 =	vperm.xlane v3, v2;
	v4 =	vadd.s32 v1, v4;
	_ =	sdelay $0x1  }
0x28: {  	v3 =	vadd.s32 v1, v3;
	_ =	sdelay $0x2  }
0x29: {  	[tilespmem:s13], [sflag:$0x1] =	stream.indirect_vreg.gather [hbm4b:s2+s3], $0x80, v4, vm0, $0xb8;
	[tilespmem:$0x10100] =	vst v63  }
0x2a: {  	_ = 	snop  }
0x2b: {  	[tilespmem:s14], [sflag:$0x1] =	stream.indirect_vreg.gather [hbm4b:s2+s3], $0x80, v3, vm0, $0xb8;
	[tilespmem:$0x10100] =	vst v63  }
0x2c: {  	v3 =	vld [tilespmem:$0x20];
	_ =	sdelay $0x4  }
0x2d: {  	v58 =	vshll.u32 v3, $0x1  }
0x2e: {  	v3 =	vand.u32 $0x7, v3;
	v4 =	vand.u32 $0xFFFFFFF0, v58  }
0x2f: {  	v3 =	vor.u32 v3, v4  }
0x30: {  	v4 =	vperm.xlane v3, v0;
	_ =	sdelay $0x1  }
0x31: {  	v3 =	vperm.xlane v3, v2;
	v4 =	vadd.s32 v1, v4;
	_ =	sdelay $0x1  }
0x32: {  	v3 =	vadd.s32 v1, v3;
	_ =	sdelay $0x2  }
0x33: {  	[tilespmem:s15], [sflag:$0x1] =	stream.indirect_vreg.gather [hbm4b:s2+s3], $0x80, v4, vm0, $0xb8;
	[tilespmem:$0x10100] =	vst v63  }
0x34: {  	_ = 	snop  }
0x35: {  	[tilespmem:s16], [sflag:$0x1] =	stream.indirect_vreg.gather [hbm4b:s2+s3], $0x80, v3, vm0, $0xb8;
	[tilespmem:$0x10100] =	vst v63  }
0x36: {  	v3 =	vld [tilespmem:$0x30];
	_ =	sdelay $0x4  }
0x37: {  	v59 =	vshll.u32 v3, $0x1  }
0x38: {  	v3 =	vand.u32 $0x7, v3;
	v4 =	vand.u32 $0xFFFFFFF0, v59  }
0x39: {  	v3 =	vor.u32 v3, v4  }
0x3a: {  	v4 =	vperm.xlane v3, v0;
	_ =	sdelay $0x1  }
0x3b: {  	v3 =	vperm.xlane v3, v2;
	v4 =	vadd.s32 v1, v4;
	_ =	sdelay $0x1  }
0x3c: {  	v3 =	vadd.s32 v1, v3;
	_ =	sdelay $0x2  }
0x3d: {  	[tilespmem:s17], [sflag:$0x1] =	stream.indirect_vreg.gather [hbm4b:s2+s3], $0x80, v4, vm0, $0xb8;
	[tilespmem:$0x10100] =	vst v63  }
0x3e: {  	_ = 	snop  }
0x3f: {  	[tilespmem:s18], [sflag:$0x1] =	stream.indirect_vreg.gather [hbm4b:s2+s3], $0x80, v3, vm0, $0xb8;
	[tilespmem:$0x10100] =	vst v63  }
0x40: {  	v3 =	vld [tilespmem:$0x40];
	_ =	sdelay $0x4  }
0x41: {  	v60 =	vshll.u32 v3, $0x1  }
0x42: {  	v3 =	vand.u32 $0x7, v3;
	v4 =	vand.u32 $0xFFFFFFF0, v60  }
0x43: {  	v3 =	vor.u32 v3, v4  }
0x44: {  	v4 =	vperm.xlane v3, v0;
	_ =	sdelay $0x1  }
0x45: {  	v3 =	vperm.xlane v3, v2;
	v4 =	vadd.s32 v1, v4;
	_ =	sdelay $0x1  }
0x46: {  	v3 =	vadd.s32 v1, v3;
	_ =	sdelay $0x2  }
0x47: {  	[tilespmem:s19], [sflag:$0x1] =	stream.indirect_vreg.gather [hbm4b:s2+s3], $0x80, v4, vm0, $0xb8;
	[tilespmem:$0x10100] =	vst v63  }
0x48: {  	_ = 	snop  }
0x49: {  	[tilespmem:s20], [sflag:$0x1] =	stream.indirect_vreg.gather [hbm4b:s2+s3], $0x80, v3, vm0, $0xb8;
	[tilespmem:$0x10100] =	vst v63  }
0x4a: {  	v3 =	vld [tilespmem:$0x50];
	_ =	sdelay $0x4  }
0x4b: {  	v61 =	vshll.u32 v3, $0x1  }
0x4c: {  	v3 =	vand.u32 $0x7, v3;
	v4 =	vand.u32 $0xFFFFFFF0, v61  }
0x4d: {  	v3 =	vor.u32 v3, v4  }
0x4e: {  	v4 =	vperm.xlane v3, v0;
	_ =	sdelay $0x1  }
0x4f: {  	v3 =	vperm.xlane v3, v2;
	v4 =	vadd.s32 v1, v4;
	_ =	sdelay $0x1  }
0x50: {  	v3 =	vadd.s32 v1, v3;
	_ =	sdelay $0x2  }
0x51: {  	[tilespmem:s21], [sflag:$0x1] =	stream.indirect_vreg.gather [hbm4b:s2+s3], $0x80, v4, vm0, $0xb8;
	[tilespmem:$0x10100] =	vst v63  }
0x52: {  	_ = 	snop  }
0x53: {  	[tilespmem:s22], [sflag:$0x1] =	stream.indirect_vreg.gather [hbm4b:s2+s3], $0x80, v3, vm0, $0xb8;
	[tilespmem:$0x10100] =	vst v63  }
0x54: {  	v3 =	vld [tilespmem:$0x60];
	_ =	sdelay $0x4  }
0x55: {  	v62 =	vshll.u32 v3, $0x1  }
0x56: {  	v3 =	vand.u32 $0x7, v3;
	v4 =	vand.u32 $0xFFFFFFF0, v62  }
0x57: {  	v3 =	vor.u32 v3, v4  }
0x58: {  	v4 =	vperm.xlane v3, v0;
	_ =	sdelay $0x1  }
0x59: {  	v3 =	vperm.xlane v3, v2;
	v4 =	vadd.s32 v1, v4;
	_ =	sdelay $0x1  }
0x5a: {  	v3 =	vadd.s32 v1, v3;
	_ =	sdelay $0x2  }
0x5b: {  	[tilespmem:s23], [sflag:$0x1] =	stream.indirect_vreg.gather [hbm4b:s2+s3], $0x80, v4, vm0, $0xb8;
	[tilespmem:$0x10100] =	vst v63  }
0x5c: {  	_ = 	snop  }
0x5d: {  	[tilespmem:s24], [sflag:$0x1] =	stream.indirect_vreg.gather [hbm4b:s2+s3], $0x80, v3, vm0, $0xb8;
	[tilespmem:$0x10100] =	vst v63  }
0x5e: {  	v3 =	vld [tilespmem:$0x70];
	_ =	sdelay $0x4  }
0x5f: {  	v63 =	vshll.u32 v3, $0x1  }
0x60: {  	v3 =	vand.u32 $0x7, v3;
	v4 =	vand.u32 $0xFFFFFFF0, v63  }
0x61: {  	v3 =	vor.u32 v3, v4  }
0x62: {  	v4 =	vperm.xlane v3, v0;
	_ =	sdelay $0x1  }
0x63: {  	v3 =	vperm.xlane v3, v2;
	v4 =	vadd.s32 v1, v4;
	_ =	sdelay $0x1  }
0x64: {  	v3 =	vadd.s32 v1, v3;
	_ =	sdelay $0x2  }
0x65: {  	[tilespmem:s25], [sflag:$0x1] =	stream.indirect_vreg.gather [hbm4b:s2+s3], $0x80, v4, vm0, $0xb8;
	[tilespmem:$0x10100] =	vst v63  }
0x66: {  	_ = 	snop  }
0x67: {  	[tilespmem:s26], [sflag:$0x1] =	stream.indirect_vreg.gather [hbm4b:s2+s3], $0x80, v3, vm0, $0xb8;
	[tilespmem:$0x10100] =	vst v63  }
0x68: {  	_ =	swait.ge [sflag:s28], $0x8000  }
0x69: {  	[sflag:s28] =	ssyncset.done $0x0  }
0x6a: {  	s12 =	rddreg [dreg:$0x4];
	[sflag:s28] =	ssyncadd.s32 $0xFFFF8000  }
0x6b: {  	[tilespmem:s29], [sflag:$0x2] =	stream.linear.gather [hbm4b:s12+s3], $0x8000, $0x38;
	[tilespmem:$0x10100] =	vst v63  }
0x6c: {  	_ =	swait.ge [sflag:s10], $0x8000  }
0x6d: {  	[sflag:s10] =	ssyncset.done $0x0  }
0x6e: {  	s31 =	simm.s32 $0x0;
	[sflag:s10] =	ssyncadd.s32 $0xFFFF8000  }
.LBB2_2:
0x6f: {  	s0 =	sshll.u32 s31, $0x8;
	s1 =	sshll.u32 s31, $0x7  }
0x70: {  	s4 =	simm.s32 $0x0;
	s0 =	sand.u32 $0x7800, s0;
	s1 =	sand.u32 $0x380, s1  }
0x71: {  	s12 =	sand.u32 $0x400, s4;
	s0 =	sor.u32 s0, s1  }
0x72: {  	s4 =	sand.u32 $0x70, s4;
	s1 =	sor.u32 s12, s0  }
0x73: {  	s1 =	sor.u32 s4, s1  }
0x74: {  	v3 =	vld [tilespmem:s1+$0x8100]  }
0x75: {  	v4 =	vld [tilespmem:s1+$0x100];
	_ =	sdelay $0x4  }
0x76: {  	s4 =	simm.s32 $0x80;
	v4 =	vsub.f32 v4, v3  }
0x77: {  	s5 =	simm.s32 $0x10;
	s7 =	sand.u32 $0x400, s4  }
0x78: {  	s6 =	sand.u32 $0x70, s5;
	s5 =	simm.s32 $0x20;
	s12 =	sor.u32 s7, s0;
	v3 =	vadd.f32 v4, v3  }
.LBB2_3:
0x79: {  	p0 =	sne.s32 s5, $0xF0;
	s6 =	sor.u32 s6, s12  }
0x7a: {  	v4 =	vld [tilespmem:s6+$0x8100];
	[tilespmem:s1+$0x100] =	vst v3;
	s1 =	smov.u32 s6  }
0x7b: {  	v3 =	vld [tilespmem:s1+$0x100];
	_ =	sdelay $0x2  }
.Ltmp0:
0x7c: {  	(pc) =	sbr.rel @p0 .LBB2_3-.Ltmp0, $4  }
0x7d: {  	_ = 	snop  }
0x7e: {  	s4 =	sadd.s32 $0x80, s4;
	v3 =	vsub.f32 v3, v4  }
0x7f: {  	s7 =	sand.u32 $0x400, s4  }
0x80: {  	s6 =	sand.u32 $0x70, s5;
	s5 =	sadd.s32 $0x10, s5;
	s12 =	sor.u32 s7, s0;
	v3 =	vadd.f32 v3, v4  }
0x81: {  	s0 =	sor.u32 s6, s12  }
0x82: {  	v4 =	vld [tilespmem:s0+$0x8100];
	[tilespmem:s1+$0x100] =	vst v3  }
0x83: {  	v3 =	vld [tilespmem:s0+$0x100];
	_ =	sdelay $0x2  }
0x84: {  	s31 =	sadd.s32 $0x1, s31  }
0x85: {  	p0 =	sne.s32 s31, $0x80  }
.Ltmp1:
0x86: {  	v3 =	vsub.f32 v3, v4;
	(pc) =	sbr.rel @p0 .LBB2_2-.Ltmp1, $3  }
0x87: {  	_ = 	snop  }
0x88: {  	v3 =	vadd.f32 v3, v4;
	_ =	sdelay $0x1  }
0x89: {  	[tilespmem:s0+$0x100] =	vst v3  }
0x8a: {  	s31 =	simm.s32 $0x0;
	s0 =	rddreg [dreg:$0x5]  }
0x8b: {  	[hbm4b:s0+s31] =	stream.linear.scatter [tilespmem:s11], [sflag:$0x2], $0x8000, $0x38;
	[tilespmem:$0x10100] =	vst v63  }
0x8c: {  	_ =	swait.ge [sflag:s10], $0x8000  }
0x8d: {  	[sflag:s10] =	ssyncset.done $0x0  }
0x8e: {  	[sflag:s10] =	ssyncadd.s32 $0xFFFF8000  }
0x8f: {  	v3 =	vld [tilespmem:$0x80];
	_ =	sdelay $0x4  }
0x90: {  	v4 =	vshll.u32 v3, $0x1  }
0x91: {  	v3 =	vand.u32 $0x7, v3;
	v4 =	vand.u32 $0xFFFFFFF0, v4  }
0x92: {  	v3 =	vor.u32 v3, v4  }
0x93: {  	v4 =	vperm.xlane v3, v0;
	_ =	sdelay $0x1  }
0x94: {  	v3 =	vperm.xlane v3, v2;
	v4 =	vadd.s32 v1, v4;
	_ =	sdelay $0x1  }
0x95: {  	v3 =	vadd.s32 v1, v3;
	_ =	sdelay $0x2  }
0x96: {  	[tilespmem:s11], [sflag:$0x1] =	stream.indirect_vreg.gather [hbm4b:s2+s31], $0x80, v4, vm0, $0xb8;
	[tilespmem:$0x10100] =	vst v63  }
0x97: {  	s7 =	simm.s32 $0x900  }
0x98: {  	[tilespmem:s7], [sflag:$0x1] =	stream.indirect_vreg.gather [hbm4b:s2+s31], $0x80, v3, vm0, $0xb8;
	[tilespmem:$0x10100] =	vst v63  }
0x99: {  	v3 =	vld [tilespmem:$0x90];
	_ =	sdelay $0x4  }
0x9a: {  	v57 =	vshll.u32 v3, $0x1  }
0x9b: {  	v3 =	vand.u32 $0x7, v3;
	v4 =	vand.u32 $0xFFFFFFF0, v57  }
0x9c: {  	v3 =	vor.u32 v3, v4  }
0x9d: {  	v4 =	vperm.xlane v3, v0;
	_ =	sdelay $0x1  }
0x9e: {  	v3 =	vperm.xlane v3, v2;
	v4 =	vadd.s32 v1, v4;
	_ =	sdelay $0x1  }
0x9f: {  	v3 =	vadd.s32 v1, v3;
	_ =	sdelay $0x2  }
0xa0: {  	[tilespmem:s13], [sflag:$0x1] =	stream.indirect_vreg.gather [hbm4b:s2+s31], $0x80, v4, vm0, $0xb8;
	[tilespmem:$0x10100] =	vst v63  }
0xa1: {  	_ = 	snop  }
0xa2: {  	[tilespmem:s14], [sflag:$0x1] =	stream.indirect_vreg.gather [hbm4b:s2+s31], $0x80, v3, vm0, $0xb8;
	[tilespmem:$0x10100] =	vst v63  }
0xa3: {  	v3 =	vld [tilespmem:$0xA0];
	_ =	sdelay $0x4  }
0xa4: {  	v58 =	vshll.u32 v3, $0x1  }
0xa5: {  	v3 =	vand.u32 $0x7, v3;
	v4 =	vand.u32 $0xFFFFFFF0, v58  }
0xa6: {  	v3 =	vor.u32 v3, v4  }
0xa7: {  	v4 =	vperm.xlane v3, v0;
	_ =	sdelay $0x1  }
0xa8: {  	v3 =	vperm.xlane v3, v2;
	v4 =	vadd.s32 v1, v4;
	_ =	sdelay $0x1  }
0xa9: {  	v3 =	vadd.s32 v1, v3;
	_ =	sdelay $0x2  }
0xaa: {  	[tilespmem:s15], [sflag:$0x1] =	stream.indirect_vreg.gather [hbm4b:s2+s31], $0x80, v4, vm0, $0xb8;
	[tilespmem:$0x10100] =	vst v63  }
0xab: {  	_ = 	snop  }
0xac: {  	[tilespmem:s16], [sflag:$0x1] =	stream.indirect_vreg.gather [hbm4b:s2+s31], $0x80, v3, vm0, $0xb8;
	[tilespmem:$0x10100] =	vst v63  }
0xad: {  	v3 =	vld [tilespmem:$0xB0];
	_ =	sdelay $0x4  }
0xae: {  	v59 =	vshll.u32 v3, $0x1  }
0xaf: {  	v3 =	vand.u32 $0x7, v3;
	v4 =	vand.u32 $0xFFFFFFF0, v59  }
0xb0: {  	v3 =	vor.u32 v3, v4  }
0xb1: {  	v4 =	vperm.xlane v3, v0;
	_ =	sdelay $0x1  }
0xb2: {  	v3 =	vperm.xlane v3, v2;
	v4 =	vadd.s32 v1, v4;
	_ =	sdelay $0x1  }
0xb3: {  	v3 =	vadd.s32 v1, v3;
	_ =	sdelay $0x2  }
0xb4: {  	[tilespmem:s17], [sflag:$0x1] =	stream.indirect_vreg.gather [hbm4b:s2+s31], $0x80, v4, vm0, $0xb8;
	[tilespmem:$0x10100] =	vst v63  }
0xb5: {  	_ = 	snop  }
0xb6: {  	[tilespmem:s18], [sflag:$0x1] =	stream.indirect_vreg.gather [hbm4b:s2+s31], $0x80, v3, vm0, $0xb8;
	[tilespmem:$0x10100] =	vst v63  }
0xb7: {  	v3 =	vld [tilespmem:$0xC0];
	_ =	sdelay $0x4  }
0xb8: {  	v60 =	vshll.u32 v3, $0x1  }
0xb9: {  	v3 =	vand.u32 $0x7, v3;
	v4 =	vand.u32 $0xFFFFFFF0, v60  }
0xba: {  	v3 =	vor.u32 v3, v4  }
0xbb: {  	v4 =	vperm.xlane v3, v0;
	_ =	sdelay $0x1  }
0xbc: {  	v3 =	vperm.xlane v3, v2;
	v4 =	vadd.s32 v1, v4;
	_ =	sdelay $0x1  }
0xbd: {  	v3 =	vadd.s32 v1, v3;
	_ =	sdelay $0x2  }
0xbe: {  	[tilespmem:s19], [sflag:$0x1] =	stream.indirect_vreg.gather [hbm4b:s2+s31], $0x80, v4, vm0, $0xb8;
	[tilespmem:$0x10100] =	vst v63  }
0xbf: {  	_ = 	snop  }
0xc0: {  	[tilespmem:s20], [sflag:$0x1] =	stream.indirect_vreg.gather [hbm4b:s2+s31], $0x80, v3, vm0, $0xb8;
	[tilespmem:$0x10100] =	vst v63  }
0xc1: {  	v3 =	vld [tilespmem:$0xD0];
	_ =	sdelay $0x4  }
0xc2: {  	v61 =	vshll.u32 v3, $0x1  }
0xc3: {  	v3 =	vand.u32 $0x7, v3;
	v4 =	vand.u32 $0xFFFFFFF0, v61  }
0xc4: {  	v3 =	vor.u32 v3, v4  }
0xc5: {  	v4 =	vperm.xlane v3, v0;
	_ =	sdelay $0x1  }
0xc6: {  	v3 =	vperm.xlane v3, v2;
	v4 =	vadd.s32 v1, v4;
	_ =	sdelay $0x1  }
0xc7: {  	v3 =	vadd.s32 v1, v3;
	_ =	sdelay $0x2  }
0xc8: {  	[tilespmem:s21], [sflag:$0x1] =	stream.indirect_vreg.gather [hbm4b:s2+s31], $0x80, v4, vm0, $0xb8;
	[tilespmem:$0x10100] =	vst v63  }
0xc9: {  	_ = 	snop  }
0xca: {  	[tilespmem:s22], [sflag:$0x1] =	stream.indirect_vreg.gather [hbm4b:s2+s31], $0x80, v3, vm0, $0xb8;
	[tilespmem:$0x10100] =	vst v63  }
0xcb: {  	v3 =	vld [tilespmem:$0xE0];
	_ =	sdelay $0x4  }
0xcc: {  	v62 =	vshll.u32 v3, $0x1  }
0xcd: {  	v3 =	vand.u32 $0x7, v3;
	v4 =	vand.u32 $0xFFFFFFF0, v62  }
0xce: {  	v3 =	vor.u32 v3, v4  }
0xcf: {  	v4 =	vperm.xlane v3, v0;
	_ =	sdelay $0x1  }
0xd0: {  	v3 =	vperm.xlane v3, v2;
	v4 =	vadd.s32 v1, v4;
	_ =	sdelay $0x1  }
0xd1: {  	v3 =	vadd.s32 v1, v3;
	_ =	sdelay $0x2  }
0xd2: {  	[tilespmem:s23], [sflag:$0x1] =	stream.indirect_vreg.gather [hbm4b:s2+s31], $0x80, v4, vm0, $0xb8;
	[tilespmem:$0x10100] =	vst v63  }
0xd3: {  	_ = 	snop  }
0xd4: {  	[tilespmem:s24], [sflag:$0x1] =	stream.indirect_vreg.gather [hbm4b:s2+s31], $0x80, v3, vm0, $0xb8;
	[tilespmem:$0x10100] =	vst v63  }
0xd5: {  	v3 =	vld [tilespmem:$0xF0];
	_ =	sdelay $0x4  }
0xd6: {  	v63 =	vshll.u32 v3, $0x1  }
0xd7: {  	v3 =	vand.u32 $0x7, v3;
	v4 =	vand.u32 $0xFFFFFFF0, v63  }
0xd8: {  	v3 =	vor.u32 v3, v4  }
0xd9: {  	v4 =	vperm.xlane v3, v0;
	_ =	sdelay $0x1  }
0xda: {  	v3 =	vperm.xlane v3, v2;
	v4 =	vadd.s32 v1, v4;
	_ =	sdelay $0x1  }
0xdb: {  	v3 =	vadd.s32 v1, v3;
	_ =	sdelay $0x2  }
0xdc: {  	[tilespmem:s25], [sflag:$0x1] =	stream.indirect_vreg.gather [hbm4b:s2+s31], $0x80, v4, vm0, $0xb8;
	[tilespmem:$0x10100] =	vst v63  }
0xdd: {  	_ = 	snop  }
0xde: {  	[tilespmem:s26], [sflag:$0x1] =	stream.indirect_vreg.gather [hbm4b:s2+s31], $0x80, v3, vm0, $0xb8;
	[tilespmem:$0x10100] =	vst v63  }
0xdf: {  	_ =	swait.ge [sflag:s28], $0x8000  }
0xe0: {  	[sflag:s28] =	ssyncset.done $0x0  }
0xe1: {  	s12 =	rddreg [dreg:$0x6];
	[sflag:s28] =	ssyncadd.s32 $0xFFFF8000  }
0xe2: {  	[tilespmem:s29], [sflag:$0x2] =	stream.linear.gather [hbm4b:s12+s31], $0x8000, $0x38;
	[tilespmem:$0x10100] =	vst v63  }
0xe3: {  	_ =	swait.ge [sflag:s10], $0x8000  }
0xe4: {  	[sflag:s10] =	ssyncset.done $0x0  }
0xe5: {  	s0 =	simm.s32 $0x0;
	[sflag:s10] =	ssyncadd.s32 $0xFFFF8000  }
.LBB2_6:
0xe6: {  	s1 =	sshll.u32 s0, $0x8;
	s4 =	sshll.u32 s0, $0x7  }
0xe7: {  	s1 =	sand.u32 $0x7800, s1;
	s4 =	sand.u32 $0x380, s4  }
0xe8: {  	s12 =	sand.u32 $0x400, s31;
	s1 =	sor.u32 s1, s4  }
0xe9: {  	s5 =	sand.u32 $0x70, s31;
	s4 =	sor.u32 s12, s1  }
0xea: {  	s4 =	sor.u32 s5, s4  }
0xeb: {  	v3 =	vld [tilespmem:s4+$0x8100]  }
0xec: {  	v4 =	vld [tilespmem:s4+$0x100];
	_ =	sdelay $0x4  }
0xed: {  	s5 =	simm.s32 $0x80;
	v4 =	vsub.f32 v4, v3  }
0xee: {  	s6 =	simm.s32 $0x10;
	s7 =	sand.u32 $0x400, s5  }
0xef: {  	s12 =	sand.u32 $0x70, s6;
	s6 =	simm.s32 $0x20;
	s7 =	sor.u32 s7, s1;
	v3 =	vadd.f32 v4, v3  }
.LBB2_7:
0xf0: {  	p0 =	sne.s32 s6, $0xF0;
	s7 =	sor.u32 s12, s7  }
0xf1: {  	v4 =	vld [tilespmem:s7+$0x8100];
	[tilespmem:s4+$0x100] =	vst v3;
	s4 =	smov.u32 s7  }
0xf2: {  	v3 =	vld [tilespmem:s4+$0x100];
	_ =	sdelay $0x2  }
.Ltmp2:
0xf3: {  	(pc) =	sbr.rel @p0 .LBB2_7-.Ltmp2, $4  }
0xf4: {  	_ = 	snop  }
0xf5: {  	s5 =	sadd.s32 $0x80, s5;
	v3 =	vsub.f32 v3, v4  }
0xf6: {  	s7 =	sand.u32 $0x400, s5  }
0xf7: {  	s12 =	sand.u32 $0x70, s6;
	s6 =	sadd.s32 $0x10, s6;
	s7 =	sor.u32 s7, s1;
	v3 =	vadd.f32 v3, v4  }
0xf8: {  	s1 =	sor.u32 s12, s7  }
0xf9: {  	v4 =	vld [tilespmem:s1+$0x8100];
	[tilespmem:s4+$0x100] =	vst v3  }
0xfa: {  	v3 =	vld [tilespmem:s1+$0x100];
	_ =	sdelay $0x2  }
0xfb: {  	s0 =	sadd.s32 $0x1, s0  }
0xfc: {  	p0 =	sne.s32 s0, $0x80  }
.Ltmp3:
0xfd: {  	v3 =	vsub.f32 v3, v4;
	(pc) =	sbr.rel @p0 .LBB2_6-.Ltmp3, $3  }
0xfe: {  	_ = 	snop  }
0xff: {  	v3 =	vadd.f32 v3, v4;
	_ =	sdelay $0x1  }
0x100: {  	[tilespmem:s1+$0x100] =	vst v3  }
0x101: {  	s30 =	sadd.s32 $0x1, s30  }
0x102: {  	p0 =	sne.s32 s30, s9  }
.Ltmp4:
0x103: {  	_ = 	snop;
	(pc) =	sbr.rel @p0 .LBB2_1-.Ltmp4, $4  }
0x104: {  	[hbm4b:s8+s3] =	stream.linear.scatter [tilespmem:s11], [sflag:$0x2], $0x8000, $0x38;
	[tilespmem:$0x10100] =	vst v63  }
0x105: {  	_ =	swait.ge [sflag:s10], $0x8000  }
0x106: {  	[sflag:s10] =	ssyncset.done $0x0  }
0x107: {  	[sflag:s10] =	ssyncadd.s32 $0xFFFF8000  }
0x108: {  	_ =	sfence.sel $0x180000  }
0x109: {  	[bflag:$0x0] =	sbarrier.arrive $0xFFFF  }
0x10a: {  	_ =	strace $0x90000047  }
0x10b: {  	s0 =	stileid.u32;
	[bflag:$0x2] =	sbarrier.arrive $0xFFFF  }
0x10c: {  	p0 =	sne.s32 s0, $0x0;
	s0 =	rddreg [dreg:$0x2]  }
0x10d: {  	s0 =	sadd.s32 @!p0 $0x100000, s0  }
0x10e: {  	[sflag:s0] =	ssyncadd.tile.s32 @!p0 $0x1;
	_ =	shalt  }
.Lfunc_end2:
_tile_overlayer_lowered:
.L_overlay_start_2:
0x10f: {  	(tag) =	ssettag $0x2  }
0x110: {  	s0 =	rddreg [dreg:$0x0];
	s2 =	stileid.u32  }
0x111: {  	s1 =	rddreg [dreg:$0x1];
	p0 =	sne.s32 s2, $0x0  }
0x112: {  	s3 =	rddreg [dreg:$0x2];
	[bflag:$0x3] =	sbarrier.arrive $0xFFFF;
	s2 =	simm.s32 @!p0 $0x1C02  }
0x113: {  	[timem:s3], [sflag:s2] =	dma.local @!p0 [hbm:s0], s1  }
0x114: {  	s0 =	simm.s32 @!p0 $0x2  }
0x115: {  	_ =	swait.ge @!p0 [sflag:s0], s1  }
0x116: {  	s1 =	ssub.s32 @!p0 $0x0, s1;
	[sflag:s0] =	ssyncset.done @!p0 $0x0  }
0x117: {  	[sflag:s0] =	ssyncadd.s32 @!p0 s1  }
0x118: {  	[bflag:$0x3] =	sbarrier.arrive $0xFFFF  }
0x119: {  	_ =	shalt  }

</sc_bundles>
